<compile_context>
chip_gen: v7x
topology: tpu7x:2x2x1
jax: 0.10.2.dev20260603
libtpu: 0.0.44.dev20260713+nightly
codegen_flags: <defaults>
</compile_context>

<pallas_src>
import functools

import jax
import jax.numpy as jnp
from jax import lax
from jax.experimental import pallas as pl
from jax.experimental.pallas import tpu as pltpu
from jax.experimental.pallas import tpu_sc as plsc

N = 10000
E = 320000
D = 128
H = D // 2

NC = 2
NS = 16
K = 80
NCHUNK = 250
EPT = NCHUNK * K
E2 = EPT * NS
NBUF = 2

N2 = 10240
RPT = N2 // NS
RCHUNK = 80
NRC = RPT // RCHUNK


def _sc_segment_sum(table, srcr, dstr, zrows):

    mesh = plsc.VectorSubcoreMesh(
        core_axis_name="c", subcore_axis_name="s", num_cores=NC, num_subcores=NS
    )

    @functools.partial(
        pl.kernel,
        out_type=jax.ShapeDtypeStruct((N2, D), jnp.float32),
        mesh=mesh,
        compiler_params=pltpu.CompilerParams(use_tc_tiling_on_sc=False),
        scratch_types=[
            pltpu.VMEM((NCHUNK, K), jnp.int32),
            pltpu.VMEM((NCHUNK, K), jnp.int32),
            *[pltpu.VMEM((K, H), jnp.float32) for _ in range(NBUF)],
            pltpu.VMEM((RCHUNK, H), jnp.float32),
            pltpu.VMEM_SHARED((N2, H), jnp.float32),
            *[pltpu.SemaphoreType.DMA for _ in range(NBUF)],
        ],
    )
    def body(y_hbm, src_hbm, dst_hbm, z_hbm, out_hbm, src_v, dst_v, *rest):
        rows = rest[:NBUF]
        zbuf = rest[NBUF]
        acc = rest[NBUF + 1]
        gsem = rest[NBUF + 2:]
        c = lax.axis_index("c")
        s = lax.axis_index("s")
        col = c * H

        pltpu.sync_copy(src_hbm.at[c, s], src_v)
        pltpu.sync_copy(dst_hbm.at[s], dst_v)

        pltpu.sync_copy(z_hbm, zbuf)
        for q in range(NRC):
            pltpu.sync_copy(zbuf, acc.at[pl.ds(s * RPT + q * RCHUNK, RCHUNK)])
        plsc.subcore_barrier()

        for b in range(NBUF):
            pltpu.async_copy(y_hbm.at[src_v.at[b]], rows[b], gsem[b])

        def ring(i, carry):
            j = NBUF * i
            for b in range(NBUF):
                pltpu.make_async_copy(y_hbm.at[src_v.at[j + b]], rows[b], gsem[b]).wait()
                pltpu.sync_copy(rows[b], acc.at[dst_v.at[j + b]], add=True)
                pltpu.async_copy(y_hbm.at[src_v.at[j + NBUF + b]], rows[b], gsem[b])
            return carry

        lax.fori_loop(0, NCHUNK // NBUF - 1, ring, 0)
        j = NCHUNK - NBUF
        for b in range(NBUF):
            pltpu.make_async_copy(y_hbm.at[src_v.at[j + b]], rows[b], gsem[b]).wait()
            pltpu.sync_copy(rows[b], acc.at[dst_v.at[j + b]], add=True)
        plsc.subcore_barrier()

        for q in range(NRC):
            r = s * RPT + q * RCHUNK
            pltpu.sync_copy(acc.at[pl.ds(r, RCHUNK)], zbuf)
            pltpu.sync_copy(zbuf, out_hbm.at[pl.ds(r, RCHUNK), pl.ds(col, H)])

    return body(table, srcr, dstr, zrows)


_RB = 1024


def _mm_body(x_ref, w_ref, o_ref):
    o_ref[...] = lax.dot_general(
        x_ref[...], w_ref[...], (((1,), (1,)), ((), ())),
        preferred_element_type=jnp.float32,
    )


def _tc_xwt_split(x, w):
    nb = N2 // _RB
    return pl.pallas_call(
        _mm_body,
        grid=(nb, NC),
        in_specs=[
            pl.BlockSpec((_RB, D), lambda i, c: (i, 0)),
            pl.BlockSpec((H, D), lambda i, c: (c, 0)),
        ],
        out_specs=pl.BlockSpec((_RB, H), lambda i, c: (c * nb + i, 0)),
        out_shape=jax.ShapeDtypeStruct((2 * N2, H), jnp.float32),
    )(x, w)


def _relu_mm_body(p_ref, b_ref, w_ref, o_ref):
    h = jnp.maximum(p_ref[...] + b_ref[...], 0.0)
    o_ref[...] = lax.dot_general(
        h, w_ref[...], (((1,), (1,)), ((), ())),
        preferred_element_type=jnp.float32,
    )


def _tc_relu_then_xwt_split(p, b, w):
    nb = N2 // _RB
    return pl.pallas_call(
        _relu_mm_body,
        grid=(nb, NC),
        in_specs=[
            pl.BlockSpec((_RB, D), lambda i, c: (i, 0)),
            pl.BlockSpec((1, D), lambda i, c: (0, 0)),
            pl.BlockSpec((H, D), lambda i, c: (c, 0)),
        ],
        out_specs=pl.BlockSpec((_RB, H), lambda i, c: (c * nb + i, 0)),
        out_shape=jax.ShapeDtypeStruct((2 * N2, H), jnp.float32),
    )(p, b, w)


def _relu_body(p_ref, b_ref, o_ref):
    o_ref[...] = jnp.maximum(p_ref[...] + b_ref[...], 0.0)


def _tc_relu(p, b):
    rb = 2000
    return pl.pallas_call(
        _relu_body,
        grid=(N // rb,),
        in_specs=[
            pl.BlockSpec((rb, D), lambda i: (i, 0)),
            pl.BlockSpec((1, D), lambda i: (0, 0)),
        ],
        out_specs=pl.BlockSpec((rb, D), lambda i: (i, 0)),
        out_shape=jax.ShapeDtypeStruct((N, D), jnp.float32),
    )(p, b)


def kernel(x, edge_index, W1, b1, W2, b2):
    ei = edge_index.astype(jnp.int32)
    srcp = jnp.concatenate([ei[0], jnp.zeros((E2 - E,), jnp.int32)])
    pad_dst = N + jnp.arange(E2 - E, dtype=jnp.int32) % (N2 - N)
    dstp = jnp.concatenate([ei[1], pad_dst])
    core_off = (jnp.arange(NC, dtype=jnp.int32) * N2).reshape(NC, 1, 1, 1)
    srcr = srcp.reshape(1, NS, NCHUNK, K) + core_off
    dstr = dstp.reshape(NS, NCHUNK, K)
    zrows = jnp.zeros((RCHUNK, H), jnp.float32)
    b1r = b1.reshape(1, D)
    b2r = b2.reshape(1, D)
    xp = jnp.pad(x, ((0, N2 - N), (0, 0)))

    t1 = _tc_xwt_split(xp, W1)
    p = _sc_segment_sum(t1, srcr, dstr, zrows)
    t2 = _tc_relu_then_xwt_split(p, b1r, W2)
    q = _sc_segment_sum(t2, srcr, dstr, zrows)
    return _tc_relu(q, b2r)

# --- scband reference (transcript-rebuilt; emitter-appended) ---
"""Pipeline reference for scband-stacked-conv-24592982737045 (READ-ONLY COPY).

The authoritative reference and input builder live on the scoring server;
editing this copy changes nothing except your own understanding.
"""

import jax, jax.numpy as jnp
import numpy as np

N_NODES = 10000
N_EDGES = 320000
D = 128


def setup_inputs(seed: int = 0) -> dict:
    key = jax.random.key(seed)
    k_x, k_e, k_w1, k_b1, k_w2, k_b2 = jax.random.split(key, 6)
    x = jax.random.normal(k_x, (N_NODES, D), dtype=jnp.float32)
    edge_index = jax.random.randint(k_e, (2, N_EDGES), 0, N_NODES, dtype=jnp.int64)
    scale = 1.0 / np.sqrt(D)
    W1 = jax.random.normal(k_w1, (D, D), dtype=jnp.float32) * scale
    b1 = jax.random.normal(k_b1, (D,), dtype=jnp.float32) * scale
    W2 = jax.random.normal(k_w2, (D, D), dtype=jnp.float32) * scale
    b2 = jax.random.normal(k_b2, (D,), dtype=jnp.float32) * scale
    return {"x": x, "edge_index": edge_index, "W1": W1, "b1": b1, "W2": W2, "b2": b2}


def _sage_conv(x, edge_index, W, b):
    # SAGEConv with aggr='add', root_weight=False, normalize=False, project=False, bias=True
    # message: x_j = x[src]; aggregate: scatter-add at dst; update: lin_l(agg)
    src = edge_index[0]
    dst = edge_index[1]
    msgs = jnp.take(x, src, axis=0)
    agg = jax.ops.segment_sum(msgs, dst, num_segments=N_NODES)
    return agg @ W.T + b


def reference(x, edge_index, W1, b1, W2, b2):
    # StackedConv(num_layers=4) -> 2 stacked SAGEConv layers, each followed by relu
    h = jax.nn.relu(_sage_conv(x, edge_index, W1, b1))
    h = jax.nn.relu(_sage_conv(h, edge_index, W2, b2))
    return h

if __name__ == "__main__":
    import jax
    _d = setup_inputs()
    print(jax.jit(kernel)(*tuple(_d.values())))

</pallas_src>

<mosaic_0001>
#map = affine_map<(d0, d1) -> (0, 0)>
#map1 = affine_map<(d0, d1) -> (0, 0, 0, 0)>
#map2 = affine_map<(d0, d1) -> (0, 0, 0)>
module attributes {stable_mosaic.version = 14 : i64} {
  func.func @body(%arg0: i32, %arg1: i32, %arg2: memref<20480x64xf32, #tpu.memory_space<hbm>>, %arg3: memref<2x16x250x80xi32, #tpu.memory_space<hbm>>, %arg4: memref<16x250x80xi32, #tpu.memory_space<hbm>>, %arg5: memref<80x64xf32, #tpu.memory_space<hbm>>, %arg6: memref<10240x128xf32, #tpu.memory_space<hbm>>, %arg7: memref<250x80xi32, #tpu.memory_space<vmem>>, %arg8: memref<250x80xi32, #tpu.memory_space<vmem>>, %arg9: memref<80x64xf32, #tpu.memory_space<vmem>>, %arg10: memref<80x64xf32, #tpu.memory_space<vmem>>, %arg11: memref<80x64xf32, #tpu.memory_space<vmem>>, %arg12: memref<10240x64xf32, #tpu.memory_space<vmem_shared>>, %arg13: memref<!tpu.dma_semaphore, #tpu.memory_space<semaphore_mem>>, %arg14: memref<!tpu.dma_semaphore, #tpu.memory_space<semaphore_mem>>) attributes {dimension_semantics = [#tpu.dimension_semantics<core_parallel>, #tpu.dimension_semantics<subcore_parallel>], iteration_bounds = array<i64: 2, 16>, scalar_prefetch = 0 : i64, scratch_operands = 8 : i64, tpu.core_type = #tpu.core_type<sc_vector_subcore>, window_params = [{transform_indices = #map}, {transform_indices = #map1}, {transform_indices = #map2}, {transform_indices = #map}, {transform_indices = #map}]} {
    %mul3A = arith.constant 64 : i32
    %mul3A_0 = arith.muli %arg0, %mul3A : i32
    "tpu.region"() ({
      %run_scoped3A_97 = tpu.sem_alloc : memref<!tpu.dma_semaphore, #tpu.memory_space<semaphore_mem>>
      %dma_start3A_98 = arith.constant 0 : i32
      %dma_start3A_99 = arith.constant 0 : i32
      %dma_start3A_100 = tpu.memref_slice %arg3[%arg0, %arg1, %dma_start3A_98, %dma_start3A_99] : memref<2x16x250x80xi32, #tpu.memory_space<hbm>> -> memref<1x1x250x80xi32, #tpu.memory_space<hbm>>
      %dma_start3A_101 = tpu.memref_squeeze %dma_start3A_100 : memref<1x1x250x80xi32, #tpu.memory_space<hbm>> -> memref<250x80xi32, #tpu.memory_space<hbm>>
      %dma_start3A_102 = arith.constant 0 : i32
      %dma_start3A_103 = arith.constant 0 : i32
      %dma_start3A_104 = tpu.memref_slice %arg3[%arg0, %arg1, %dma_start3A_102, %dma_start3A_103] : memref<2x16x250x80xi32, #tpu.memory_space<hbm>> -> memref<1x1x250x80xi32, #tpu.memory_space<hbm>>
      %dma_start3A_105 = tpu.memref_squeeze %dma_start3A_104 : memref<1x1x250x80xi32, #tpu.memory_space<hbm>> -> memref<250x80xi32, #tpu.memory_space<hbm>>
      tpu.enqueue_dma source(%dma_start3A_105 : memref<250x80xi32, #tpu.memory_space<hbm>>) target(%arg7 : memref<250x80xi32, #tpu.memory_space<vmem>>) target_semaphore(%run_scoped3A_97 : memref<!tpu.dma_semaphore, #tpu.memory_space<semaphore_mem>>)
      %dma_wait3A_106 = arith.constant 0 : i32
      %dma_wait3A_107 = arith.constant 0 : i32
      %dma_wait3A_108 = tpu.memref_slice %arg3[%arg0, %arg1, %dma_wait3A_106, %dma_wait3A_107] : memref<2x16x250x80xi32, #tpu.memory_space<hbm>> -> memref<1x1x250x80xi32, #tpu.memory_space<hbm>>
      %dma_wait3A_109 = tpu.memref_squeeze %dma_wait3A_108 : memref<1x1x250x80xi32, #tpu.memory_space<hbm>> -> memref<250x80xi32, #tpu.memory_space<hbm>>
      %dma_wait3A_110 = arith.constant 0 : i32
      %dma_wait3A_111 = arith.constant 0 : i32
      %dma_wait3A_112 = tpu.memref_slice %arg3[%arg0, %arg1, %dma_wait3A_110, %dma_wait3A_111] : memref<2x16x250x80xi32, #tpu.memory_space<hbm>> -> memref<1x1x250x80xi32, #tpu.memory_space<hbm>>
      %dma_wait3A_113 = tpu.memref_squeeze %dma_wait3A_112 : memref<1x1x250x80xi32, #tpu.memory_space<hbm>> -> memref<250x80xi32, #tpu.memory_space<hbm>>
      tpu.wait_dma2 semaphore(%run_scoped3A_97 : memref<!tpu.dma_semaphore, #tpu.memory_space<semaphore_mem>>) src(%dma_wait3A_113 : memref<250x80xi32, #tpu.memory_space<hbm>>) dst(%arg7 : memref<250x80xi32, #tpu.memory_space<vmem>>)
      tpu.yield
    }) : () -> ()
    "tpu.region"() ({
      %run_scoped3A_97 = tpu.sem_alloc : memref<!tpu.dma_semaphore, #tpu.memory_space<semaphore_mem>>
      %dma_start3A_98 = arith.constant 0 : i32
      %dma_start3A_99 = arith.constant 0 : i32
      %dma_start3A_100 = tpu.memref_slice %arg4[%arg1, %dma_start3A_98, %dma_start3A_99] : memref<16x250x80xi32, #tpu.memory_space<hbm>> -> memref<1x250x80xi32, #tpu.memory_space<hbm>>
      %dma_start3A_101 = tpu.memref_squeeze %dma_start3A_100 : memref<1x250x80xi32, #tpu.memory_space<hbm>> -> memref<250x80xi32, #tpu.memory_space<hbm>>
      %dma_start3A_102 = arith.constant 0 : i32
      %dma_start3A_103 = arith.constant 0 : i32
      %dma_start3A_104 = tpu.memref_slice %arg4[%arg1, %dma_start3A_102, %dma_start3A_103] : memref<16x250x80xi32, #tpu.memory_space<hbm>> -> memref<1x250x80xi32, #tpu.memory_space<hbm>>
      %dma_start3A_105 = tpu.memref_squeeze %dma_start3A_104 : memref<1x250x80xi32, #tpu.memory_space<hbm>> -> memref<250x80xi32, #tpu.memory_space<hbm>>
      tpu.enqueue_dma source(%dma_start3A_105 : memref<250x80xi32, #tpu.memory_space<hbm>>) target(%arg8 : memref<250x80xi32, #tpu.memory_space<vmem>>) target_semaphore(%run_scoped3A_97 : memref<!tpu.dma_semaphore, #tpu.memory_space<semaphore_mem>>)
      %dma_wait3A_106 = arith.constant 0 : i32
      %dma_wait3A_107 = arith.constant 0 : i32
      %dma_wait3A_108 = tpu.memref_slice %arg4[%arg1, %dma_wait3A_106, %dma_wait3A_107] : memref<16x250x80xi32, #tpu.memory_space<hbm>> -> memref<1x250x80xi32, #tpu.memory_space<hbm>>
      %dma_wait3A_109 = tpu.memref_squeeze %dma_wait3A_108 : memref<1x250x80xi32, #tpu.memory_space<hbm>> -> memref<250x80xi32, #tpu.memory_space<hbm>>
      %dma_wait3A_110 = arith.constant 0 : i32
      %dma_wait3A_111 = arith.constant 0 : i32
      %dma_wait3A_112 = tpu.memref_slice %arg4[%arg1, %dma_wait3A_110, %dma_wait3A_111] : memref<16x250x80xi32, #tpu.memory_space<hbm>> -> memref<1x250x80xi32, #tpu.memory_space<hbm>>
      %dma_wait3A_113 = tpu.memref_squeeze %dma_wait3A_112 : memref<1x250x80xi32, #tpu.memory_space<hbm>> -> memref<250x80xi32, #tpu.memory_space<hbm>>
      tpu.wait_dma2 semaphore(%run_scoped3A_97 : memref<!tpu.dma_semaphore, #tpu.memory_space<semaphore_mem>>) src(%dma_wait3A_113 : memref<250x80xi32, #tpu.memory_space<hbm>>) dst(%arg8 : memref<250x80xi32, #tpu.memory_space<vmem>>)
      tpu.yield
    }) : () -> ()
    "tpu.region"() ({
      %run_scoped3A_97 = tpu.sem_alloc : memref<!tpu.dma_semaphore, #tpu.memory_space<semaphore_mem>>
      tpu.enqueue_dma source(%arg5 : memref<80x64xf32, #tpu.memory_space<hbm>>) target(%arg11 : memref<80x64xf32, #tpu.memory_space<vmem>>) target_semaphore(%run_scoped3A_97 : memref<!tpu.dma_semaphore, #tpu.memory_space<semaphore_mem>>)
      tpu.wait_dma2 semaphore(%run_scoped3A_97 : memref<!tpu.dma_semaphore, #tpu.memory_space<semaphore_mem>>) src(%arg5 : memref<80x64xf32, #tpu.memory_space<hbm>>) dst(%arg11 : memref<80x64xf32, #tpu.memory_space<vmem>>)
      tpu.yield
    }) : () -> ()
    %mul3A_1 = arith.constant 640 : i32
    %mul3A_2 = arith.muli %arg1, %mul3A_1 : i32
    %add3A = arith.constant 0 : i32
    %add3A_3 = arith.addi %mul3A_2, %add3A : i32
    "tpu.region"() ({
      %run_scoped3A_97 = tpu.sem_alloc : memref<!tpu.dma_semaphore, #tpu.memory_space<semaphore_mem>>
      %dma_start3A_98 = arith.constant 0 : i32
      %dma_start3A_99 = tpu.memref_slice %arg12[%add3A_3, %dma_start3A_98] : memref<10240x64xf32, #tpu.memory_space<vmem_shared>> -> memref<80x64xf32, #tpu.memory_space<vmem_shared>>
      %dma_start3A_100 = arith.constant 0 : i32
      %dma_start3A_101 = tpu.memref_slice %arg12[%add3A_3, %dma_start3A_100] : memref<10240x64xf32, #tpu.memory_space<vmem_shared>> -> memref<80x64xf32, #tpu.memory_space<vmem_shared>>
      tpu.enqueue_dma source(%arg11 : memref<80x64xf32, #tpu.memory_space<vmem>>) target(%dma_start3A_101 : memref<80x64xf32, #tpu.memory_space<vmem_shared>>) target_semaphore(%run_scoped3A_97 : memref<!tpu.dma_semaphore, #tpu.memory_space<semaphore_mem>>)
      %dma_wait3A_102 = arith.constant 0 : i32
      %dma_wait3A_103 = tpu.memref_slice %arg12[%add3A_3, %dma_wait3A_102] : memref<10240x64xf32, #tpu.memory_space<vmem_shared>> -> memref<80x64xf32, #tpu.memory_space<vmem_shared>>
      %dma_wait3A_104 = arith.constant 0 : i32
      %dma_wait3A_105 = tpu.memref_slice %arg12[%add3A_3, %dma_wait3A_104] : memref<10240x64xf32, #tpu.memory_space<vmem_shared>> -> memref<80x64xf32, #tpu.memory_space<vmem_shared>>
      tpu.wait_dma2 semaphore(%run_scoped3A_97 : memref<!tpu.dma_semaphore, #tpu.memory_space<semaphore_mem>>) src(%arg11 : memref<80x64xf32, #tpu.memory_space<vmem>>) dst(%dma_wait3A_105 : memref<80x64xf32, #tpu.memory_space<vmem_shared>>)
      tpu.yield
    }) : () -> ()
    %mul3A_4 = arith.constant 640 : i32
    %mul3A_5 = arith.muli %arg1, %mul3A_4 : i32
    %add3A_6 = arith.constant 80 : i32
    %add3A_7 = arith.addi %mul3A_5, %add3A_6 : i32
    "tpu.region"() ({
      %run_scoped3A_97 = tpu.sem_alloc : memref<!tpu.dma_semaphore, #tpu.memory_space<semaphore_mem>>
      %dma_start3A_98 = arith.constant 0 : i32
      %dma_start3A_99 = tpu.memref_slice %arg12[%add3A_7, %dma_start3A_98] : memref<10240x64xf32, #tpu.memory_space<vmem_shared>> -> memref<80x64xf32, #tpu.memory_space<vmem_shared>>
      %dma_start3A_100 = arith.constant 0 : i32
      %dma_start3A_101 = tpu.memref_slice %arg12[%add3A_7, %dma_start3A_100] : memref<10240x64xf32, #tpu.memory_space<vmem_shared>> -> memref<80x64xf32, #tpu.memory_space<vmem_shared>>
      tpu.enqueue_dma source(%arg11 : memref<80x64xf32, #tpu.memory_space<vmem>>) target(%dma_start3A_101 : memref<80x64xf32, #tpu.memory_space<vmem_shared>>) target_semaphore(%run_scoped3A_97 : memref<!tpu.dma_semaphore, #tpu.memory_space<semaphore_mem>>)
      %dma_wait3A_102 = arith.constant 0 : i32
      %dma_wait3A_103 = tpu.memref_slice %arg12[%add3A_7, %dma_wait3A_102] : memref<10240x64xf32, #tpu.memory_space<vmem_shared>> -> memref<80x64xf32, #tpu.memory_space<vmem_shared>>
      %dma_wait3A_104 = arith.constant 0 : i32
      %dma_wait3A_105 = tpu.memref_slice %arg12[%add3A_7, %dma_wait3A_104] : memref<10240x64xf32, #tpu.memory_space<vmem_shared>> -> memref<80x64xf32, #tpu.memory_space<vmem_shared>>
      tpu.wait_dma2 semaphore(%run_scoped3A_97 : memref<!tpu.dma_semaphore, #tpu.memory_space<semaphore_mem>>) src(%arg11 : memref<80x64xf32, #tpu.memory_space<vmem>>) dst(%dma_wait3A_105 : memref<80x64xf32, #tpu.memory_space<vmem_shared>>)
      tpu.yield
    }) : () -> ()
    %mul3A_8 = arith.constant 640 : i32
    %mul3A_9 = arith.muli %arg1, %mul3A_8 : i32
    %add3A_10 = arith.constant 160 : i32
    %add3A_11 = arith.addi %mul3A_9, %add3A_10 : i32
    "tpu.region"() ({
      %run_scoped3A_97 = tpu.sem_alloc : memref<!tpu.dma_semaphore, #tpu.memory_space<semaphore_mem>>
      %dma_start3A_98 = arith.constant 0 : i32
      %dma_start3A_99 = tpu.memref_slice %arg12[%add3A_11, %dma_start3A_98] : memref<10240x64xf32, #tpu.memory_space<vmem_shared>> -> memref<80x64xf32, #tpu.memory_space<vmem_shared>>
      %dma_start3A_100 = arith.constant 0 : i32
      %dma_start3A_101 = tpu.memref_slice %arg12[%add3A_11, %dma_start3A_100] : memref<10240x64xf32, #tpu.memory_space<vmem_shared>> -> memref<80x64xf32, #tpu.memory_space<vmem_shared>>
      tpu.enqueue_dma source(%arg11 : memref<80x64xf32, #tpu.memory_space<vmem>>) target(%dma_start3A_101 : memref<80x64xf32, #tpu.memory_space<vmem_shared>>) target_semaphore(%run_scoped3A_97 : memref<!tpu.dma_semaphore, #tpu.memory_space<semaphore_mem>>)
      %dma_wait3A_102 = arith.constant 0 : i32
      %dma_wait3A_103 = tpu.memref_slice %arg12[%add3A_11, %dma_wait3A_102] : memref<10240x64xf32, #tpu.memory_space<vmem_shared>> -> memref<80x64xf32, #tpu.memory_space<vmem_shared>>
      %dma_wait3A_104 = arith.constant 0 : i32
      %dma_wait3A_105 = tpu.memref_slice %arg12[%add3A_11, %dma_wait3A_104] : memref<10240x64xf32, #tpu.memory_space<vmem_shared>> -> memref<80x64xf32, #tpu.memory_space<vmem_shared>>
      tpu.wait_dma2 semaphore(%run_scoped3A_97 : memref<!tpu.dma_semaphore, #tpu.memory_space<semaphore_mem>>) src(%arg11 : memref<80x64xf32, #tpu.memory_space<vmem>>) dst(%dma_wait3A_105 : memref<80x64xf32, #tpu.memory_space<vmem_shared>>)
      tpu.yield
    }) : () -> ()
    %mul3A_12 = arith.constant 640 : i32
    %mul3A_13 = arith.muli %arg1, %mul3A_12 : i32
    %add3A_14 = arith.constant 240 : i32
    %add3A_15 = arith.addi %mul3A_13, %add3A_14 : i32
    "tpu.region"() ({
      %run_scoped3A_97 = tpu.sem_alloc : memref<!tpu.dma_semaphore, #tpu.memory_space<semaphore_mem>>
      %dma_start3A_98 = arith.constant 0 : i32
      %dma_start3A_99 = tpu.memref_slice %arg12[%add3A_15, %dma_start3A_98] : memref<10240x64xf32, #tpu.memory_space<vmem_shared>> -> memref<80x64xf32, #tpu.memory_space<vmem_shared>>
      %dma_start3A_100 = arith.constant 0 : i32
      %dma_start3A_101 = tpu.memref_slice %arg12[%add3A_15, %dma_start3A_100] : memref<10240x64xf32, #tpu.memory_space<vmem_shared>> -> memref<80x64xf32, #tpu.memory_space<vmem_shared>>
      tpu.enqueue_dma source(%arg11 : memref<80x64xf32, #tpu.memory_space<vmem>>) target(%dma_start3A_101 : memref<80x64xf32, #tpu.memory_space<vmem_shared>>) target_semaphore(%run_scoped3A_97 : memref<!tpu.dma_semaphore, #tpu.memory_space<semaphore_mem>>)
      %dma_wait3A_102 = arith.constant 0 : i32
      %dma_wait3A_103 = tpu.memref_slice %arg12[%add3A_15, %dma_wait3A_102] : memref<10240x64xf32, #tpu.memory_space<vmem_shared>> -> memref<80x64xf32, #tpu.memory_space<vmem_shared>>
      %dma_wait3A_104 = arith.constant 0 : i32
      %dma_wait3A_105 = tpu.memref_slice %arg12[%add3A_15, %dma_wait3A_104] : memref<10240x64xf32, #tpu.memory_space<vmem_shared>> -> memref<80x64xf32, #tpu.memory_space<vmem_shared>>
      tpu.wait_dma2 semaphore(%run_scoped3A_97 : memref<!tpu.dma_semaphore, #tpu.memory_space<semaphore_mem>>) src(%arg11 : memref<80x64xf32, #tpu.memory_space<vmem>>) dst(%dma_wait3A_105 : memref<80x64xf32, #tpu.memory_space<vmem_shared>>)
      tpu.yield
    }) : () -> ()
    %mul3A_16 = arith.constant 640 : i32
    %mul3A_17 = arith.muli %arg1, %mul3A_16 : i32
    %add3A_18 = arith.constant 320 : i32
    %add3A_19 = arith.addi %mul3A_17, %add3A_18 : i32
    "tpu.region"() ({
      %run_scoped3A_97 = tpu.sem_alloc : memref<!tpu.dma_semaphore, #tpu.memory_space<semaphore_mem>>
      %dma_start3A_98 = arith.constant 0 : i32
      %dma_start3A_99 = tpu.memref_slice %arg12[%add3A_19, %dma_start3A_98] : memref<10240x64xf32, #tpu.memory_space<vmem_shared>> -> memref<80x64xf32, #tpu.memory_space<vmem_shared>>
      %dma_start3A_100 = arith.constant 0 : i32
      %dma_start3A_101 = tpu.memref_slice %arg12[%add3A_19, %dma_start3A_100] : memref<10240x64xf32, #tpu.memory_space<vmem_shared>> -> memref<80x64xf32, #tpu.memory_space<vmem_shared>>
      tpu.enqueue_dma source(%arg11 : memref<80x64xf32, #tpu.memory_space<vmem>>) target(%dma_start3A_101 : memref<80x64xf32, #tpu.memory_space<vmem_shared>>) target_semaphore(%run_scoped3A_97 : memref<!tpu.dma_semaphore, #tpu.memory_space<semaphore_mem>>)
      %dma_wait3A_102 = arith.constant 0 : i32
      %dma_wait3A_103 = tpu.memref_slice %arg12[%add3A_19, %dma_wait3A_102] : memref<10240x64xf32, #tpu.memory_space<vmem_shared>> -> memref<80x64xf32, #tpu.memory_space<vmem_shared>>
      %dma_wait3A_104 = arith.constant 0 : i32
      %dma_wait3A_105 = tpu.memref_slice %arg12[%add3A_19, %dma_wait3A_104] : memref<10240x64xf32, #tpu.memory_space<vmem_shared>> -> memref<80x64xf32, #tpu.memory_space<vmem_shared>>
      tpu.wait_dma2 semaphore(%run_scoped3A_97 : memref<!tpu.dma_semaphore, #tpu.memory_space<semaphore_mem>>) src(%arg11 : memref<80x64xf32, #tpu.memory_space<vmem>>) dst(%dma_wait3A_105 : memref<80x64xf32, #tpu.memory_space<vmem_shared>>)
      tpu.yield
    }) : () -> ()
    %mul3A_20 = arith.constant 640 : i32
    %mul3A_21 = arith.muli %arg1, %mul3A_20 : i32
    %add3A_22 = arith.constant 400 : i32
    %add3A_23 = arith.addi %mul3A_21, %add3A_22 : i32
    "tpu.region"() ({
      %run_scoped3A_97 = tpu.sem_alloc : memref<!tpu.dma_semaphore, #tpu.memory_space<semaphore_mem>>
      %dma_start3A_98 = arith.constant 0 : i32
      %dma_start3A_99 = tpu.memref_slice %arg12[%add3A_23, %dma_start3A_98] : memref<10240x64xf32, #tpu.memory_space<vmem_shared>> -> memref<80x64xf32, #tpu.memory_space<vmem_shared>>
      %dma_start3A_100 = arith.constant 0 : i32
      %dma_start3A_101 = tpu.memref_slice %arg12[%add3A_23, %dma_start3A_100] : memref<10240x64xf32, #tpu.memory_space<vmem_shared>> -> memref<80x64xf32, #tpu.memory_space<vmem_shared>>
      tpu.enqueue_dma source(%arg11 : memref<80x64xf32, #tpu.memory_space<vmem>>) target(%dma_start3A_101 : memref<80x64xf32, #tpu.memory_space<vmem_shared>>) target_semaphore(%run_scoped3A_97 : memref<!tpu.dma_semaphore, #tpu.memory_space<semaphore_mem>>)
      %dma_wait3A_102 = arith.constant 0 : i32
      %dma_wait3A_103 = tpu.memref_slice %arg12[%add3A_23, %dma_wait3A_102] : memref<10240x64xf32, #tpu.memory_space<vmem_shared>> -> memref<80x64xf32, #tpu.memory_space<vmem_shared>>
      %dma_wait3A_104 = arith.constant 0 : i32
      %dma_wait3A_105 = tpu.memref_slice %arg12[%add3A_23, %dma_wait3A_104] : memref<10240x64xf32, #tpu.memory_space<vmem_shared>> -> memref<80x64xf32, #tpu.memory_space<vmem_shared>>
      tpu.wait_dma2 semaphore(%run_scoped3A_97 : memref<!tpu.dma_semaphore, #tpu.memory_space<semaphore_mem>>) src(%arg11 : memref<80x64xf32, #tpu.memory_space<vmem>>) dst(%dma_wait3A_105 : memref<80x64xf32, #tpu.memory_space<vmem_shared>>)
      tpu.yield
    }) : () -> ()
    %mul3A_24 = arith.constant 640 : i32
    %mul3A_25 = arith.muli %arg1, %mul3A_24 : i32
    %add3A_26 = arith.constant 480 : i32
    %add3A_27 = arith.addi %mul3A_25, %add3A_26 : i32
    "tpu.region"() ({
      %run_scoped3A_97 = tpu.sem_alloc : memref<!tpu.dma_semaphore, #tpu.memory_space<semaphore_mem>>
      %dma_start3A_98 = arith.constant 0 : i32
      %dma_start3A_99 = tpu.memref_slice %arg12[%add3A_27, %dma_start3A_98] : memref<10240x64xf32, #tpu.memory_space<vmem_shared>> -> memref<80x64xf32, #tpu.memory_space<vmem_shared>>
      %dma_start3A_100 = arith.constant 0 : i32
      %dma_start3A_101 = tpu.memref_slice %arg12[%add3A_27, %dma_start3A_100] : memref<10240x64xf32, #tpu.memory_space<vmem_shared>> -> memref<80x64xf32, #tpu.memory_space<vmem_shared>>
      tpu.enqueue_dma source(%arg11 : memref<80x64xf32, #tpu.memory_space<vmem>>) target(%dma_start3A_101 : memref<80x64xf32, #tpu.memory_space<vmem_shared>>) target_semaphore(%run_scoped3A_97 : memref<!tpu.dma_semaphore, #tpu.memory_space<semaphore_mem>>)
      %dma_wait3A_102 = arith.constant 0 : i32
      %dma_wait3A_103 = tpu.memref_slice %arg12[%add3A_27, %dma_wait3A_102] : memref<10240x64xf32, #tpu.memory_space<vmem_shared>> -> memref<80x64xf32, #tpu.memory_space<vmem_shared>>
      %dma_wait3A_104 = arith.constant 0 : i32
      %dma_wait3A_105 = tpu.memref_slice %arg12[%add3A_27, %dma_wait3A_104] : memref<10240x64xf32, #tpu.memory_space<vmem_shared>> -> memref<80x64xf32, #tpu.memory_space<vmem_shared>>
      tpu.wait_dma2 semaphore(%run_scoped3A_97 : memref<!tpu.dma_semaphore, #tpu.memory_space<semaphore_mem>>) src(%arg11 : memref<80x64xf32, #tpu.memory_space<vmem>>) dst(%dma_wait3A_105 : memref<80x64xf32, #tpu.memory_space<vmem_shared>>)
      tpu.yield
    }) : () -> ()
    %mul3A_28 = arith.constant 640 : i32
    %mul3A_29 = arith.muli %arg1, %mul3A_28 : i32
    %add3A_30 = arith.constant 560 : i32
    %add3A_31 = arith.addi %mul3A_29, %add3A_30 : i32
    "tpu.region"() ({
      %run_scoped3A_97 = tpu.sem_alloc : memref<!tpu.dma_semaphore, #tpu.memory_space<semaphore_mem>>
      %dma_start3A_98 = arith.constant 0 : i32
      %dma_start3A_99 = tpu.memref_slice %arg12[%add3A_31, %dma_start3A_98] : memref<10240x64xf32, #tpu.memory_space<vmem_shared>> -> memref<80x64xf32, #tpu.memory_space<vmem_shared>>
      %dma_start3A_100 = arith.constant 0 : i32
      %dma_start3A_101 = tpu.memref_slice %arg12[%add3A_31, %dma_start3A_100] : memref<10240x64xf32, #tpu.memory_space<vmem_shared>> -> memref<80x64xf32, #tpu.memory_space<vmem_shared>>
      tpu.enqueue_dma source(%arg11 : memref<80x64xf32, #tpu.memory_space<vmem>>) target(%dma_start3A_101 : memref<80x64xf32, #tpu.memory_space<vmem_shared>>) target_semaphore(%run_scoped3A_97 : memref<!tpu.dma_semaphore, #tpu.memory_space<semaphore_mem>>)
      %dma_wait3A_102 = arith.constant 0 : i32
      %dma_wait3A_103 = tpu.memref_slice %arg12[%add3A_31, %dma_wait3A_102] : memref<10240x64xf32, #tpu.memory_space<vmem_shared>> -> memref<80x64xf32, #tpu.memory_space<vmem_shared>>
      %dma_wait3A_104 = arith.constant 0 : i32
      %dma_wait3A_105 = tpu.memref_slice %arg12[%add3A_31, %dma_wait3A_104] : memref<10240x64xf32, #tpu.memory_space<vmem_shared>> -> memref<80x64xf32, #tpu.memory_space<vmem_shared>>
      tpu.wait_dma2 semaphore(%run_scoped3A_97 : memref<!tpu.dma_semaphore, #tpu.memory_space<semaphore_mem>>) src(%arg11 : memref<80x64xf32, #tpu.memory_space<vmem>>) dst(%dma_wait3A_105 : memref<80x64xf32, #tpu.memory_space<vmem_shared>>)
      tpu.yield
    }) : () -> ()
    %barrier3A = arith.constant 0 : index
    tpu.barrier barrier_id(%barrier3A)
    %dma_start3A = arith.constant 0 : i32
    %dma_start3A_32 = arith.constant 0 : i32
    %dma_start3A_33 = tpu.memref_slice %arg7[%dma_start3A, %dma_start3A_32] : memref<250x80xi32, #tpu.memory_space<vmem>> -> memref<1x80xi32, #tpu.memory_space<vmem>>
    %dma_start3A_34 = tpu.memref_squeeze %dma_start3A_33 : memref<1x80xi32, #tpu.memory_space<vmem>> -> memref<80xi32, #tpu.memory_space<vmem>>
    %dma_start3A_35 = arith.constant 0 : i32
    %dma_start3A_36 = arith.constant 0 : i32
    %dma_start3A_37 = tpu.memref_slice %arg2[%dma_start3A_35, %dma_start3A_36] : memref<20480x64xf32, #tpu.memory_space<hbm>> -> memref<20480x64xf32, #tpu.memory_space<hbm>>
    tpu.enqueue_indirect_dma source(%dma_start3A_37 : memref<20480x64xf32, #tpu.memory_space<hbm>>) target(%arg9 : memref<80x64xf32, #tpu.memory_space<vmem>>) offsets(%dma_start3A_34 : memref<80xi32, #tpu.memory_space<vmem>>) semaphore(%arg13 : memref<!tpu.dma_semaphore, #tpu.memory_space<semaphore_mem>>)
    %dma_start3A_38 = arith.constant 1 : i32
    %dma_start3A_39 = arith.constant 0 : i32
    %dma_start3A_40 = tpu.memref_slice %arg7[%dma_start3A_38, %dma_start3A_39] : memref<250x80xi32, #tpu.memory_space<vmem>> -> memref<1x80xi32, #tpu.memory_space<vmem>>
    %dma_start3A_41 = tpu.memref_squeeze %dma_start3A_40 : memref<1x80xi32, #tpu.memory_space<vmem>> -> memref<80xi32, #tpu.memory_space<vmem>>
    %dma_start3A_42 = arith.constant 0 : i32
    %dma_start3A_43 = arith.constant 0 : i32
    %dma_start3A_44 = tpu.memref_slice %arg2[%dma_start3A_42, %dma_start3A_43] : memref<20480x64xf32, #tpu.memory_space<hbm>> -> memref<20480x64xf32, #tpu.memory_space<hbm>>
    tpu.enqueue_indirect_dma source(%dma_start3A_44 : memref<20480x64xf32, #tpu.memory_space<hbm>>) target(%arg10 : memref<80x64xf32, #tpu.memory_space<vmem>>) offsets(%dma_start3A_41 : memref<80xi32, #tpu.memory_space<vmem>>) semaphore(%arg14 : memref<!tpu.dma_semaphore, #tpu.memory_space<semaphore_mem>>)
    %scan3A = arith.constant 0 : i32
    %scan3A_45 = arith.constant 0 : i32
    %scan3A_46 = arith.constant 124 : i32
    %scan3A_47 = arith.addi %scan3A_45, %scan3A_46 : i32
    %scan3A_48 = arith.constant 1 : i32
    scf.for %scan3A_97 = %scan3A_45 to %scan3A_47 step %scan3A_48  : i32 {
      %mul3A_98 = arith.constant 2 : i32
      %mul3A_99 = arith.muli %mul3A_98, %scan3A_97 : i32
      %add3A_100 = arith.constant 0 : i32
      %add3A_101 = arith.addi %mul3A_99, %add3A_100 : i32
      %dma_wait3A_102 = arith.constant 0 : i32
      %dma_wait3A_103 = tpu.memref_slice %arg7[%add3A_101, %dma_wait3A_102] : memref<250x80xi32, #tpu.memory_space<vmem>> -> memref<1x80xi32, #tpu.memory_space<vmem>>
      %dma_wait3A_104 = tpu.memref_squeeze %dma_wait3A_103 : memref<1x80xi32, #tpu.memory_space<vmem>> -> memref<80xi32, #tpu.memory_space<vmem>>
      %dma_wait3A_105 = arith.constant 0 : i32
      %dma_wait3A_106 = arith.constant 0 : i32
      %dma_wait3A_107 = tpu.memref_slice %arg2[%dma_wait3A_105, %dma_wait3A_106] : memref<20480x64xf32, #tpu.memory_space<hbm>> -> memref<20480x64xf32, #tpu.memory_space<hbm>>
      tpu.wait_indirect_dma semaphore(%arg13 : memref<!tpu.dma_semaphore, #tpu.memory_space<semaphore_mem>>) src(%dma_wait3A_107 : memref<20480x64xf32, #tpu.memory_space<hbm>>) dst(%arg9 : memref<80x64xf32, #tpu.memory_space<vmem>>)
      %add3A_108 = arith.constant 0 : i32
      %add3A_109 = arith.addi %mul3A_99, %add3A_108 : i32
      "tpu.region"() ({
        %run_scoped3A_140 = tpu.sem_alloc : memref<!tpu.dma_semaphore, #tpu.memory_space<semaphore_mem>>
        %dma_start3A_141 = arith.constant 0 : i32
        %dma_start3A_142 = tpu.memref_slice %arg8[%add3A_109, %dma_start3A_141] : memref<250x80xi32, #tpu.memory_space<vmem>> -> memref<1x80xi32, #tpu.memory_space<vmem>>
        %dma_start3A_143 = tpu.memref_squeeze %dma_start3A_142 : memref<1x80xi32, #tpu.memory_space<vmem>> -> memref<80xi32, #tpu.memory_space<vmem>>
        %dma_start3A_144 = arith.constant 0 : i32
        %dma_start3A_145 = arith.constant 0 : i32
        %dma_start3A_146 = tpu.memref_slice %arg12[%dma_start3A_144, %dma_start3A_145] : memref<10240x64xf32, #tpu.memory_space<vmem_shared>> -> memref<10240x64xf32, #tpu.memory_space<vmem_shared>>
        tpu.enqueue_indirect_dma source(%arg9 : memref<80x64xf32, #tpu.memory_space<vmem>>) target(%dma_start3A_146 : memref<10240x64xf32, #tpu.memory_space<vmem_shared>>) offsets(%dma_start3A_143 : memref<80xi32, #tpu.memory_space<vmem>>) semaphore(%run_scoped3A_140 : memref<!tpu.dma_semaphore, #tpu.memory_space<semaphore_mem>>) {add = true}
        %dma_wait3A_147 = arith.constant 0 : i32
        %dma_wait3A_148 = tpu.memref_slice %arg8[%add3A_109, %dma_wait3A_147] : memref<250x80xi32, #tpu.memory_space<vmem>> -> memref<1x80xi32, #tpu.memory_space<vmem>>
        %dma_wait3A_149 = tpu.memref_squeeze %dma_wait3A_148 : memref<1x80xi32, #tpu.memory_space<vmem>> -> memref<80xi32, #tpu.memory_space<vmem>>
        %dma_wait3A_150 = arith.constant 0 : i32
        %dma_wait3A_151 = arith.constant 0 : i32
        %dma_wait3A_152 = tpu.memref_slice %arg12[%dma_wait3A_150, %dma_wait3A_151] : memref<10240x64xf32, #tpu.memory_space<vmem_shared>> -> memref<10240x64xf32, #tpu.memory_space<vmem_shared>>
        tpu.wait_indirect_dma semaphore(%run_scoped3A_140 : memref<!tpu.dma_semaphore, #tpu.memory_space<semaphore_mem>>) src(%arg9 : memref<80x64xf32, #tpu.memory_space<vmem>>) dst(%dma_wait3A_152 : memref<10240x64xf32, #tpu.memory_space<vmem_shared>>)
        tpu.yield
      }) : () -> ()
      %add3A_110 = arith.constant 2 : i32
      %add3A_111 = arith.addi %mul3A_99, %add3A_110 : i32
      %add3A_112 = arith.constant 0 : i32
      %add3A_113 = arith.addi %add3A_111, %add3A_112 : i32
      %dma_start3A_114 = arith.constant 0 : i32
      %dma_start3A_115 = tpu.memref_slice %arg7[%add3A_113, %dma_start3A_114] : memref<250x80xi32, #tpu.memory_space<vmem>> -> memref<1x80xi32, #tpu.memory_space<vmem>>
      %dma_start3A_116 = tpu.memref_squeeze %dma_start3A_115 : memref<1x80xi32, #tpu.memory_space<vmem>> -> memref<80xi32, #tpu.memory_space<vmem>>
      %dma_start3A_117 = arith.constant 0 : i32
      %dma_start3A_118 = arith.constant 0 : i32
      %dma_start3A_119 = tpu.memref_slice %arg2[%dma_start3A_117, %dma_start3A_118] : memref<20480x64xf32, #tpu.memory_space<hbm>> -> memref<20480x64xf32, #tpu.memory_space<hbm>>
      tpu.enqueue_indirect_dma source(%dma_start3A_119 : memref<20480x64xf32, #tpu.memory_space<hbm>>) target(%arg9 : memref<80x64xf32, #tpu.memory_space<vmem>>) offsets(%dma_start3A_116 : memref<80xi32, #tpu.memory_space<vmem>>) semaphore(%arg13 : memref<!tpu.dma_semaphore, #tpu.memory_space<semaphore_mem>>)
      %add3A_120 = arith.constant 1 : i32
      %add3A_121 = arith.addi %mul3A_99, %add3A_120 : i32
      %dma_wait3A_122 = arith.constant 0 : i32
      %dma_wait3A_123 = tpu.memref_slice %arg7[%add3A_121, %dma_wait3A_122] : memref<250x80xi32, #tpu.memory_space<vmem>> -> memref<1x80xi32, #tpu.memory_space<vmem>>
      %dma_wait3A_124 = tpu.memref_squeeze %dma_wait3A_123 : memref<1x80xi32, #tpu.memory_space<vmem>> -> memref<80xi32, #tpu.memory_space<vmem>>
      %dma_wait3A_125 = arith.constant 0 : i32
      %dma_wait3A_126 = arith.constant 0 : i32
      %dma_wait3A_127 = tpu.memref_slice %arg2[%dma_wait3A_125, %dma_wait3A_126] : memref<20480x64xf32, #tpu.memory_space<hbm>> -> memref<20480x64xf32, #tpu.memory_space<hbm>>
      tpu.wait_indirect_dma semaphore(%arg14 : memref<!tpu.dma_semaphore, #tpu.memory_space<semaphore_mem>>) src(%dma_wait3A_127 : memref<20480x64xf32, #tpu.memory_space<hbm>>) dst(%arg10 : memref<80x64xf32, #tpu.memory_space<vmem>>)
      %add3A_128 = arith.constant 1 : i32
      %add3A_129 = arith.addi %mul3A_99, %add3A_128 : i32
      "tpu.region"() ({
        %run_scoped3A_140 = tpu.sem_alloc : memref<!tpu.dma_semaphore, #tpu.memory_space<semaphore_mem>>
        %dma_start3A_141 = arith.constant 0 : i32
        %dma_start3A_142 = tpu.memref_slice %arg8[%add3A_129, %dma_start3A_141] : memref<250x80xi32, #tpu.memory_space<vmem>> -> memref<1x80xi32, #tpu.memory_space<vmem>>
        %dma_start3A_143 = tpu.memref_squeeze %dma_start3A_142 : memref<1x80xi32, #tpu.memory_space<vmem>> -> memref<80xi32, #tpu.memory_space<vmem>>
        %dma_start3A_144 = arith.constant 0 : i32
        %dma_start3A_145 = arith.constant 0 : i32
        %dma_start3A_146 = tpu.memref_slice %arg12[%dma_start3A_144, %dma_start3A_145] : memref<10240x64xf32, #tpu.memory_space<vmem_shared>> -> memref<10240x64xf32, #tpu.memory_space<vmem_shared>>
        tpu.enqueue_indirect_dma source(%arg10 : memref<80x64xf32, #tpu.memory_space<vmem>>) target(%dma_start3A_146 : memref<10240x64xf32, #tpu.memory_space<vmem_shared>>) offsets(%dma_start3A_143 : memref<80xi32, #tpu.memory_space<vmem>>) semaphore(%run_scoped3A_140 : memref<!tpu.dma_semaphore, #tpu.memory_space<semaphore_mem>>) {add = true}
        %dma_wait3A_147 = arith.constant 0 : i32
        %dma_wait3A_148 = tpu.memref_slice %arg8[%add3A_129, %dma_wait3A_147] : memref<250x80xi32, #tpu.memory_space<vmem>> -> memref<1x80xi32, #tpu.memory_space<vmem>>
        %dma_wait3A_149 = tpu.memref_squeeze %dma_wait3A_148 : memref<1x80xi32, #tpu.memory_space<vmem>> -> memref<80xi32, #tpu.memory_space<vmem>>
        %dma_wait3A_150 = arith.constant 0 : i32
        %dma_wait3A_151 = arith.constant 0 : i32
        %dma_wait3A_152 = tpu.memref_slice %arg12[%dma_wait3A_150, %dma_wait3A_151] : memref<10240x64xf32, #tpu.memory_space<vmem_shared>> -> memref<10240x64xf32, #tpu.memory_space<vmem_shared>>
        tpu.wait_indirect_dma semaphore(%run_scoped3A_140 : memref<!tpu.dma_semaphore, #tpu.memory_space<semaphore_mem>>) src(%arg10 : memref<80x64xf32, #tpu.memory_space<vmem>>) dst(%dma_wait3A_152 : memref<10240x64xf32, #tpu.memory_space<vmem_shared>>)
        tpu.yield
      }) : () -> ()
      %add3A_130 = arith.constant 2 : i32
      %add3A_131 = arith.addi %mul3A_99, %add3A_130 : i32
      %add3A_132 = arith.constant 1 : i32
      %add3A_133 = arith.addi %add3A_131, %add3A_132 : i32
      %dma_start3A_134 = arith.constant 0 : i32
      %dma_start3A_135 = tpu.memref_slice %arg7[%add3A_133, %dma_start3A_134] : memref<250x80xi32, #tpu.memory_space<vmem>> -> memref<1x80xi32, #tpu.memory_space<vmem>>
      %dma_start3A_136 = tpu.memref_squeeze %dma_start3A_135 : memref<1x80xi32, #tpu.memory_space<vmem>> -> memref<80xi32, #tpu.memory_space<vmem>>
      %dma_start3A_137 = arith.constant 0 : i32
      %dma_start3A_138 = arith.constant 0 : i32
      %dma_start3A_139 = tpu.memref_slice %arg2[%dma_start3A_137, %dma_start3A_138] : memref<20480x64xf32, #tpu.memory_space<hbm>> -> memref<20480x64xf32, #tpu.memory_space<hbm>>
      tpu.enqueue_indirect_dma source(%dma_start3A_139 : memref<20480x64xf32, #tpu.memory_space<hbm>>) target(%arg10 : memref<80x64xf32, #tpu.memory_space<vmem>>) offsets(%dma_start3A_136 : memref<80xi32, #tpu.memory_space<vmem>>) semaphore(%arg14 : memref<!tpu.dma_semaphore, #tpu.memory_space<semaphore_mem>>)
    }
    %scan3A_49 = arith.constant 124 : i32
    %dma_wait3A = arith.constant 248 : i32
    %dma_wait3A_50 = arith.constant 0 : i32
    %dma_wait3A_51 = tpu.memref_slice %arg7[%dma_wait3A, %dma_wait3A_50] : memref<250x80xi32, #tpu.memory_space<vmem>> -> memref<1x80xi32, #tpu.memory_space<vmem>>
    %dma_wait3A_52 = tpu.memref_squeeze %dma_wait3A_51 : memref<1x80xi32, #tpu.memory_space<vmem>> -> memref<80xi32, #tpu.memory_space<vmem>>
    %dma_wait3A_53 = arith.constant 0 : i32
    %dma_wait3A_54 = arith.constant 0 : i32
    %dma_wait3A_55 = tpu.memref_slice %arg2[%dma_wait3A_53, %dma_wait3A_54] : memref<20480x64xf32, #tpu.memory_space<hbm>> -> memref<20480x64xf32, #tpu.memory_space<hbm>>
    tpu.wait_indirect_dma semaphore(%arg13 : memref<!tpu.dma_semaphore, #tpu.memory_space<semaphore_mem>>) src(%dma_wait3A_55 : memref<20480x64xf32, #tpu.memory_space<hbm>>) dst(%arg9 : memref<80x64xf32, #tpu.memory_space<vmem>>)
    %run_scoped3A = arith.constant 248 : i32
    "tpu.region"() ({
      %run_scoped3A_97 = tpu.sem_alloc : memref<!tpu.dma_semaphore, #tpu.memory_space<semaphore_mem>>
      %dma_start3A_98 = arith.constant 0 : i32
      %dma_start3A_99 = tpu.memref_slice %arg8[%run_scoped3A, %dma_start3A_98] : memref<250x80xi32, #tpu.memory_space<vmem>> -> memref<1x80xi32, #tpu.memory_space<vmem>>
      %dma_start3A_100 = tpu.memref_squeeze %dma_start3A_99 : memref<1x80xi32, #tpu.memory_space<vmem>> -> memref<80xi32, #tpu.memory_space<vmem>>
      %dma_start3A_101 = arith.constant 0 : i32
      %dma_start3A_102 = arith.constant 0 : i32
      %dma_start3A_103 = tpu.memref_slice %arg12[%dma_start3A_101, %dma_start3A_102] : memref<10240x64xf32, #tpu.memory_space<vmem_shared>> -> memref<10240x64xf32, #tpu.memory_space<vmem_shared>>
      tpu.enqueue_indirect_dma source(%arg9 : memref<80x64xf32, #tpu.memory_space<vmem>>) target(%dma_start3A_103 : memref<10240x64xf32, #tpu.memory_space<vmem_shared>>) offsets(%dma_start3A_100 : memref<80xi32, #tpu.memory_space<vmem>>) semaphore(%run_scoped3A_97 : memref<!tpu.dma_semaphore, #tpu.memory_space<semaphore_mem>>) {add = true}
      %dma_wait3A_104 = arith.constant 0 : i32
      %dma_wait3A_105 = tpu.memref_slice %arg8[%run_scoped3A, %dma_wait3A_104] : memref<250x80xi32, #tpu.memory_space<vmem>> -> memref<1x80xi32, #tpu.memory_space<vmem>>
      %dma_wait3A_106 = tpu.memref_squeeze %dma_wait3A_105 : memref<1x80xi32, #tpu.memory_space<vmem>> -> memref<80xi32, #tpu.memory_space<vmem>>
      %dma_wait3A_107 = arith.constant 0 : i32
      %dma_wait3A_108 = arith.constant 0 : i32
      %dma_wait3A_109 = tpu.memref_slice %arg12[%dma_wait3A_107, %dma_wait3A_108] : memref<10240x64xf32, #tpu.memory_space<vmem_shared>> -> memref<10240x64xf32, #tpu.memory_space<vmem_shared>>
      tpu.wait_indirect_dma semaphore(%run_scoped3A_97 : memref<!tpu.dma_semaphore, #tpu.memory_space<semaphore_mem>>) src(%arg9 : memref<80x64xf32, #tpu.memory_space<vmem>>) dst(%dma_wait3A_109 : memref<10240x64xf32, #tpu.memory_space<vmem_shared>>)
      tpu.yield
    }) : () -> ()
    %dma_wait3A_56 = arith.constant 249 : i32
    %dma_wait3A_57 = arith.constant 0 : i32
    %dma_wait3A_58 = tpu.memref_slice %arg7[%dma_wait3A_56, %dma_wait3A_57] : memref<250x80xi32, #tpu.memory_space<vmem>> -> memref<1x80xi32, #tpu.memory_space<vmem>>
    %dma_wait3A_59 = tpu.memref_squeeze %dma_wait3A_58 : memref<1x80xi32, #tpu.memory_space<vmem>> -> memref<80xi32, #tpu.memory_space<vmem>>
    %dma_wait3A_60 = arith.constant 0 : i32
    %dma_wait3A_61 = arith.constant 0 : i32
    %dma_wait3A_62 = tpu.memref_slice %arg2[%dma_wait3A_60, %dma_wait3A_61] : memref<20480x64xf32, #tpu.memory_space<hbm>> -> memref<20480x64xf32, #tpu.memory_space<hbm>>
    tpu.wait_indirect_dma semaphore(%arg14 : memref<!tpu.dma_semaphore, #tpu.memory_space<semaphore_mem>>) src(%dma_wait3A_62 : memref<20480x64xf32, #tpu.memory_space<hbm>>) dst(%arg10 : memref<80x64xf32, #tpu.memory_space<vmem>>)
    %run_scoped3A_63 = arith.constant 249 : i32
    "tpu.region"() ({
      %run_scoped3A_97 = tpu.sem_alloc : memref<!tpu.dma_semaphore, #tpu.memory_space<semaphore_mem>>
      %dma_start3A_98 = arith.constant 0 : i32
      %dma_start3A_99 = tpu.memref_slice %arg8[%run_scoped3A_63, %dma_start3A_98] : memref<250x80xi32, #tpu.memory_space<vmem>> -> memref<1x80xi32, #tpu.memory_space<vmem>>
      %dma_start3A_100 = tpu.memref_squeeze %dma_start3A_99 : memref<1x80xi32, #tpu.memory_space<vmem>> -> memref<80xi32, #tpu.memory_space<vmem>>
      %dma_start3A_101 = arith.constant 0 : i32
      %dma_start3A_102 = arith.constant 0 : i32
      %dma_start3A_103 = tpu.memref_slice %arg12[%dma_start3A_101, %dma_start3A_102] : memref<10240x64xf32, #tpu.memory_space<vmem_shared>> -> memref<10240x64xf32, #tpu.memory_space<vmem_shared>>
      tpu.enqueue_indirect_dma source(%arg10 : memref<80x64xf32, #tpu.memory_space<vmem>>) target(%dma_start3A_103 : memref<10240x64xf32, #tpu.memory_space<vmem_shared>>) offsets(%dma_start3A_100 : memref<80xi32, #tpu.memory_space<vmem>>) semaphore(%run_scoped3A_97 : memref<!tpu.dma_semaphore, #tpu.memory_space<semaphore_mem>>) {add = true}
      %dma_wait3A_104 = arith.constant 0 : i32
      %dma_wait3A_105 = tpu.memref_slice %arg8[%run_scoped3A_63, %dma_wait3A_104] : memref<250x80xi32, #tpu.memory_space<vmem>> -> memref<1x80xi32, #tpu.memory_space<vmem>>
      %dma_wait3A_106 = tpu.memref_squeeze %dma_wait3A_105 : memref<1x80xi32, #tpu.memory_space<vmem>> -> memref<80xi32, #tpu.memory_space<vmem>>
      %dma_wait3A_107 = arith.constant 0 : i32
      %dma_wait3A_108 = arith.constant 0 : i32
      %dma_wait3A_109 = tpu.memref_slice %arg12[%dma_wait3A_107, %dma_wait3A_108] : memref<10240x64xf32, #tpu.memory_space<vmem_shared>> -> memref<10240x64xf32, #tpu.memory_space<vmem_shared>>
      tpu.wait_indirect_dma semaphore(%run_scoped3A_97 : memref<!tpu.dma_semaphore, #tpu.memory_space<semaphore_mem>>) src(%arg10 : memref<80x64xf32, #tpu.memory_space<vmem>>) dst(%dma_wait3A_109 : memref<10240x64xf32, #tpu.memory_space<vmem_shared>>)
      tpu.yield
    }) : () -> ()
    %barrier3A_64 = arith.constant 0 : index
    tpu.barrier barrier_id(%barrier3A_64)
    %mul3A_65 = arith.constant 640 : i32
    %mul3A_66 = arith.muli %arg1, %mul3A_65 : i32
    %add3A_67 = arith.constant 0 : i32
    %add3A_68 = arith.addi %mul3A_66, %add3A_67 : i32
    "tpu.region"() ({
      %run_scoped3A_97 = tpu.sem_alloc : memref<!tpu.dma_semaphore, #tpu.memory_space<semaphore_mem>>
      %dma_start3A_98 = arith.constant 0 : i32
      %dma_start3A_99 = tpu.memref_slice %arg12[%add3A_68, %dma_start3A_98] : memref<10240x64xf32, #tpu.memory_space<vmem_shared>> -> memref<80x64xf32, #tpu.memory_space<vmem_shared>>
      %dma_start3A_100 = arith.constant 0 : i32
      %dma_start3A_101 = tpu.memref_slice %arg12[%add3A_68, %dma_start3A_100] : memref<10240x64xf32, #tpu.memory_space<vmem_shared>> -> memref<80x64xf32, #tpu.memory_space<vmem_shared>>
      tpu.enqueue_dma source(%dma_start3A_101 : memref<80x64xf32, #tpu.memory_space<vmem_shared>>) target(%arg11 : memref<80x64xf32, #tpu.memory_space<vmem>>) target_semaphore(%run_scoped3A_97 : memref<!tpu.dma_semaphore, #tpu.memory_space<semaphore_mem>>)
      %dma_wait3A_102 = arith.constant 0 : i32
      %dma_wait3A_103 = tpu.memref_slice %arg12[%add3A_68, %dma_wait3A_102] : memref<10240x64xf32, #tpu.memory_space<vmem_shared>> -> memref<80x64xf32, #tpu.memory_space<vmem_shared>>
      %dma_wait3A_104 = arith.constant 0 : i32
      %dma_wait3A_105 = tpu.memref_slice %arg12[%add3A_68, %dma_wait3A_104] : memref<10240x64xf32, #tpu.memory_space<vmem_shared>> -> memref<80x64xf32, #tpu.memory_space<vmem_shared>>
      tpu.wait_dma2 semaphore(%run_scoped3A_97 : memref<!tpu.dma_semaphore, #tpu.memory_space<semaphore_mem>>) src(%dma_wait3A_105 : memref<80x64xf32, #tpu.memory_space<vmem_shared>>) dst(%arg11 : memref<80x64xf32, #tpu.memory_space<vmem>>)
      tpu.yield
    }) : () -> ()
    "tpu.region"() ({
      %run_scoped3A_97 = tpu.sem_alloc : memref<!tpu.dma_semaphore, #tpu.memory_space<semaphore_mem>>
      %dma_start3A_98 = tpu.memref_slice %arg6[%add3A_68, %mul3A_0] : memref<10240x128xf32, #tpu.memory_space<hbm>> -> memref<80x64xf32, #tpu.memory_space<hbm>>
      %dma_start3A_99 = tpu.memref_slice %arg6[%add3A_68, %mul3A_0] : memref<10240x128xf32, #tpu.memory_space<hbm>> -> memref<80x64xf32, #tpu.memory_space<hbm>>
      tpu.enqueue_dma source(%arg11 : memref<80x64xf32, #tpu.memory_space<vmem>>) target(%dma_start3A_99 : memref<80x64xf32, #tpu.memory_space<hbm>>) target_semaphore(%run_scoped3A_97 : memref<!tpu.dma_semaphore, #tpu.memory_space<semaphore_mem>>)
      %dma_wait3A_100 = tpu.memref_slice %arg6[%add3A_68, %mul3A_0] : memref<10240x128xf32, #tpu.memory_space<hbm>> -> memref<80x64xf32, #tpu.memory_space<hbm>>
      %dma_wait3A_101 = tpu.memref_slice %arg6[%add3A_68, %mul3A_0] : memref<10240x128xf32, #tpu.memory_space<hbm>> -> memref<80x64xf32, #tpu.memory_space<hbm>>
      tpu.wait_dma2 semaphore(%run_scoped3A_97 : memref<!tpu.dma_semaphore, #tpu.memory_space<semaphore_mem>>) src(%arg11 : memref<80x64xf32, #tpu.memory_space<vmem>>) dst(%dma_wait3A_101 : memref<80x64xf32, #tpu.memory_space<hbm>>)
      tpu.yield
    }) : () -> ()
    %mul3A_69 = arith.constant 640 : i32
    %mul3A_70 = arith.muli %arg1, %mul3A_69 : i32
    %add3A_71 = arith.constant 80 : i32
    %add3A_72 = arith.addi %mul3A_70, %add3A_71 : i32
    "tpu.region"() ({
      %run_scoped3A_97 = tpu.sem_alloc : memref<!tpu.dma_semaphore, #tpu.memory_space<semaphore_mem>>
      %dma_start3A_98 = arith.constant 0 : i32
      %dma_start3A_99 = tpu.memref_slice %arg12[%add3A_72, %dma_start3A_98] : memref<10240x64xf32, #tpu.memory_space<vmem_shared>> -> memref<80x64xf32, #tpu.memory_space<vmem_shared>>
      %dma_start3A_100 = arith.constant 0 : i32
      %dma_start3A_101 = tpu.memref_slice %arg12[%add3A_72, %dma_start3A_100] : memref<10240x64xf32, #tpu.memory_space<vmem_shared>> -> memref<80x64xf32, #tpu.memory_space<vmem_shared>>
      tpu.enqueue_dma source(%dma_start3A_101 : memref<80x64xf32, #tpu.memory_space<vmem_shared>>) target(%arg11 : memref<80x64xf32, #tpu.memory_space<vmem>>) target_semaphore(%run_scoped3A_97 : memref<!tpu.dma_semaphore, #tpu.memory_space<semaphore_mem>>)
      %dma_wait3A_102 = arith.constant 0 : i32
      %dma_wait3A_103 = tpu.memref_slice %arg12[%add3A_72, %dma_wait3A_102] : memref<10240x64xf32, #tpu.memory_space<vmem_shared>> -> memref<80x64xf32, #tpu.memory_space<vmem_shared>>
      %dma_wait3A_104 = arith.constant 0 : i32
      %dma_wait3A_105 = tpu.memref_slice %arg12[%add3A_72, %dma_wait3A_104] : memref<10240x64xf32, #tpu.memory_space<vmem_shared>> -> memref<80x64xf32, #tpu.memory_space<vmem_shared>>
      tpu.wait_dma2 semaphore(%run_scoped3A_97 : memref<!tpu.dma_semaphore, #tpu.memory_space<semaphore_mem>>) src(%dma_wait3A_105 : memref<80x64xf32, #tpu.memory_space<vmem_shared>>) dst(%arg11 : memref<80x64xf32, #tpu.memory_space<vmem>>)
      tpu.yield
    }) : () -> ()
    "tpu.region"() ({
      %run_scoped3A_97 = tpu.sem_alloc : memref<!tpu.dma_semaphore, #tpu.memory_space<semaphore_mem>>
      %dma_start3A_98 = tpu.memref_slice %arg6[%add3A_72, %mul3A_0] : memref<10240x128xf32, #tpu.memory_space<hbm>> -> memref<80x64xf32, #tpu.memory_space<hbm>>
      %dma_start3A_99 = tpu.memref_slice %arg6[%add3A_72, %mul3A_0] : memref<10240x128xf32, #tpu.memory_space<hbm>> -> memref<80x64xf32, #tpu.memory_space<hbm>>
      tpu.enqueue_dma source(%arg11 : memref<80x64xf32, #tpu.memory_space<vmem>>) target(%dma_start3A_99 : memref<80x64xf32, #tpu.memory_space<hbm>>) target_semaphore(%run_scoped3A_97 : memref<!tpu.dma_semaphore, #tpu.memory_space<semaphore_mem>>)
      %dma_wait3A_100 = tpu.memref_slice %arg6[%add3A_72, %mul3A_0] : memref<10240x128xf32, #tpu.memory_space<hbm>> -> memref<80x64xf32, #tpu.memory_space<hbm>>
      %dma_wait3A_101 = tpu.memref_slice %arg6[%add3A_72, %mul3A_0] : memref<10240x128xf32, #tpu.memory_space<hbm>> -> memref<80x64xf32, #tpu.memory_space<hbm>>
      tpu.wait_dma2 semaphore(%run_scoped3A_97 : memref<!tpu.dma_semaphore, #tpu.memory_space<semaphore_mem>>) src(%arg11 : memref<80x64xf32, #tpu.memory_space<vmem>>) dst(%dma_wait3A_101 : memref<80x64xf32, #tpu.memory_space<hbm>>)
      tpu.yield
    }) : () -> ()
    %mul3A_73 = arith.constant 640 : i32
    %mul3A_74 = arith.muli %arg1, %mul3A_73 : i32
    %add3A_75 = arith.constant 160 : i32
    %add3A_76 = arith.addi %mul3A_74, %add3A_75 : i32
    "tpu.region"() ({
      %run_scoped3A_97 = tpu.sem_alloc : memref<!tpu.dma_semaphore, #tpu.memory_space<semaphore_mem>>
      %dma_start3A_98 = arith.constant 0 : i32
      %dma_start3A_99 = tpu.memref_slice %arg12[%add3A_76, %dma_start3A_98] : memref<10240x64xf32, #tpu.memory_space<vmem_shared>> -> memref<80x64xf32, #tpu.memory_space<vmem_shared>>
      %dma_start3A_100 = arith.constant 0 : i32
      %dma_start3A_101 = tpu.memref_slice %arg12[%add3A_76, %dma_start3A_100] : memref<10240x64xf32, #tpu.memory_space<vmem_shared>> -> memref<80x64xf32, #tpu.memory_space<vmem_shared>>
      tpu.enqueue_dma source(%dma_start3A_101 : memref<80x64xf32, #tpu.memory_space<vmem_shared>>) target(%arg11 : memref<80x64xf32, #tpu.memory_space<vmem>>) target_semaphore(%run_scoped3A_97 : memref<!tpu.dma_semaphore, #tpu.memory_space<semaphore_mem>>)
      %dma_wait3A_102 = arith.constant 0 : i32
      %dma_wait3A_103 = tpu.memref_slice %arg12[%add3A_76, %dma_wait3A_102] : memref<10240x64xf32, #tpu.memory_space<vmem_shared>> -> memref<80x64xf32, #tpu.memory_space<vmem_shared>>
      %dma_wait3A_104 = arith.constant 0 : i32
      %dma_wait3A_105 = tpu.memref_slice %arg12[%add3A_76, %dma_wait3A_104] : memref<10240x64xf32, #tpu.memory_space<vmem_shared>> -> memref<80x64xf32, #tpu.memory_space<vmem_shared>>
      tpu.wait_dma2 semaphore(%run_scoped3A_97 : memref<!tpu.dma_semaphore, #tpu.memory_space<semaphore_mem>>) src(%dma_wait3A_105 : memref<80x64xf32, #tpu.memory_space<vmem_shared>>) dst(%arg11 : memref<80x64xf32, #tpu.memory_space<vmem>>)
      tpu.yield
    }) : () -> ()
    "tpu.region"() ({
      %run_scoped3A_97 = tpu.sem_alloc : memref<!tpu.dma_semaphore, #tpu.memory_space<semaphore_mem>>
      %dma_start3A_98 = tpu.memref_slice %arg6[%add3A_76, %mul3A_0] : memref<10240x128xf32, #tpu.memory_space<hbm>> -> memref<80x64xf32, #tpu.memory_space<hbm>>
      %dma_start3A_99 = tpu.memref_slice %arg6[%add3A_76, %mul3A_0] : memref<10240x128xf32, #tpu.memory_space<hbm>> -> memref<80x64xf32, #tpu.memory_space<hbm>>
      tpu.enqueue_dma source(%arg11 : memref<80x64xf32, #tpu.memory_space<vmem>>) target(%dma_start3A_99 : memref<80x64xf32, #tpu.memory_space<hbm>>) target_semaphore(%run_scoped3A_97 : memref<!tpu.dma_semaphore, #tpu.memory_space<semaphore_mem>>)
      %dma_wait3A_100 = tpu.memref_slice %arg6[%add3A_76, %mul3A_0] : memref<10240x128xf32, #tpu.memory_space<hbm>> -> memref<80x64xf32, #tpu.memory_space<hbm>>
      %dma_wait3A_101 = tpu.memref_slice %arg6[%add3A_76, %mul3A_0] : memref<10240x128xf32, #tpu.memory_space<hbm>> -> memref<80x64xf32, #tpu.memory_space<hbm>>
      tpu.wait_dma2 semaphore(%run_scoped3A_97 : memref<!tpu.dma_semaphore, #tpu.memory_space<semaphore_mem>>) src(%arg11 : memref<80x64xf32, #tpu.memory_space<vmem>>) dst(%dma_wait3A_101 : memref<80x64xf32, #tpu.memory_space<hbm>>)
      tpu.yield
    }) : () -> ()
    %mul3A_77 = arith.constant 640 : i32
    %mul3A_78 = arith.muli %arg1, %mul3A_77 : i32
    %add3A_79 = arith.constant 240 : i32
    %add3A_80 = arith.addi %mul3A_78, %add3A_79 : i32
    "tpu.region"() ({
      %run_scoped3A_97 = tpu.sem_alloc : memref<!tpu.dma_semaphore, #tpu.memory_space<semaphore_mem>>
      %dma_start3A_98 = arith.constant 0 : i32
      %dma_start3A_99 = tpu.memref_slice %arg12[%add3A_80, %dma_start3A_98] : memref<10240x64xf32, #tpu.memory_space<vmem_shared>> -> memref<80x64xf32, #tpu.memory_space<vmem_shared>>
      %dma_start3A_100 = arith.constant 0 : i32
      %dma_start3A_101 = tpu.memref_slice %arg12[%add3A_80, %dma_start3A_100] : memref<10240x64xf32, #tpu.memory_space<vmem_shared>> -> memref<80x64xf32, #tpu.memory_space<vmem_shared>>
      tpu.enqueue_dma source(%dma_start3A_101 : memref<80x64xf32, #tpu.memory_space<vmem_shared>>) target(%arg11 : memref<80x64xf32, #tpu.memory_space<vmem>>) target_semaphore(%run_scoped3A_97 : memref<!tpu.dma_semaphore, #tpu.memory_space<semaphore_mem>>)
      %dma_wait3A_102 = arith.constant 0 : i32
      %dma_wait3A_103 = tpu.memref_slice %arg12[%add3A_80, %dma_wait3A_102] : memref<10240x64xf32, #tpu.memory_space<vmem_shared>> -> memref<80x64xf32, #tpu.memory_space<vmem_shared>>
      %dma_wait3A_104 = arith.constant 0 : i32
      %dma_wait3A_105 = tpu.memref_slice %arg12[%add3A_80, %dma_wait3A_104] : memref<10240x64xf32, #tpu.memory_space<vmem_shared>> -> memref<80x64xf32, #tpu.memory_space<vmem_shared>>
      tpu.wait_dma2 semaphore(%run_scoped3A_97 : memref<!tpu.dma_semaphore, #tpu.memory_space<semaphore_mem>>) src(%dma_wait3A_105 : memref<80x64xf32, #tpu.memory_space<vmem_shared>>) dst(%arg11 : memref<80x64xf32, #tpu.memory_space<vmem>>)
      tpu.yield
    }) : () -> ()
    "tpu.region"() ({
      %run_scoped3A_97 = tpu.sem_alloc : memref<!tpu.dma_semaphore, #tpu.memory_space<semaphore_mem>>
      %dma_start3A_98 = tpu.memref_slice %arg6[%add3A_80, %mul3A_0] : memref<10240x128xf32, #tpu.memory_space<hbm>> -> memref<80x64xf32, #tpu.memory_space<hbm>>
      %dma_start3A_99 = tpu.memref_slice %arg6[%add3A_80, %mul3A_0] : memref<10240x128xf32, #tpu.memory_space<hbm>> -> memref<80x64xf32, #tpu.memory_space<hbm>>
      tpu.enqueue_dma source(%arg11 : memref<80x64xf32, #tpu.memory_space<vmem>>) target(%dma_start3A_99 : memref<80x64xf32, #tpu.memory_space<hbm>>) target_semaphore(%run_scoped3A_97 : memref<!tpu.dma_semaphore, #tpu.memory_space<semaphore_mem>>)
      %dma_wait3A_100 = tpu.memref_slice %arg6[%add3A_80, %mul3A_0] : memref<10240x128xf32, #tpu.memory_space<hbm>> -> memref<80x64xf32, #tpu.memory_space<hbm>>
      %dma_wait3A_101 = tpu.memref_slice %arg6[%add3A_80, %mul3A_0] : memref<10240x128xf32, #tpu.memory_space<hbm>> -> memref<80x64xf32, #tpu.memory_space<hbm>>
      tpu.wait_dma2 semaphore(%run_scoped3A_97 : memref<!tpu.dma_semaphore, #tpu.memory_space<semaphore_mem>>) src(%arg11 : memref<80x64xf32, #tpu.memory_space<vmem>>) dst(%dma_wait3A_101 : memref<80x64xf32, #tpu.memory_space<hbm>>)
      tpu.yield
    }) : () -> ()
    %mul3A_81 = arith.constant 640 : i32
    %mul3A_82 = arith.muli %arg1, %mul3A_81 : i32
    %add3A_83 = arith.constant 320 : i32
    %add3A_84 = arith.addi %mul3A_82, %add3A_83 : i32
    "tpu.region"() ({
      %run_scoped3A_97 = tpu.sem_alloc : memref<!tpu.dma_semaphore, #tpu.memory_space<semaphore_mem>>
      %dma_start3A_98 = arith.constant 0 : i32
      %dma_start3A_99 = tpu.memref_slice %arg12[%add3A_84, %dma_start3A_98] : memref<10240x64xf32, #tpu.memory_space<vmem_shared>> -> memref<80x64xf32, #tpu.memory_space<vmem_shared>>
      %dma_start3A_100 = arith.constant 0 : i32
      %dma_start3A_101 = tpu.memref_slice %arg12[%add3A_84, %dma_start3A_100] : memref<10240x64xf32, #tpu.memory_space<vmem_shared>> -> memref<80x64xf32, #tpu.memory_space<vmem_shared>>
      tpu.enqueue_dma source(%dma_start3A_101 : memref<80x64xf32, #tpu.memory_space<vmem_shared>>) target(%arg11 : memref<80x64xf32, #tpu.memory_space<vmem>>) target_semaphore(%run_scoped3A_97 : memref<!tpu.dma_semaphore, #tpu.memory_space<semaphore_mem>>)
      %dma_wait3A_102 = arith.constant 0 : i32
      %dma_wait3A_103 = tpu.memref_slice %arg12[%add3A_84, %dma_wait3A_102] : memref<10240x64xf32, #tpu.memory_space<vmem_shared>> -> memref<80x64xf32, #tpu.memory_space<vmem_shared>>
      %dma_wait3A_104 = arith.constant 0 : i32
      %dma_wait3A_105 = tpu.memref_slice %arg12[%add3A_84, %dma_wait3A_104] : memref<10240x64xf32, #tpu.memory_space<vmem_shared>> -> memref<80x64xf32, #tpu.memory_space<vmem_shared>>
      tpu.wait_dma2 semaphore(%run_scoped3A_97 : memref<!tpu.dma_semaphore, #tpu.memory_space<semaphore_mem>>) src(%dma_wait3A_105 : memref<80x64xf32, #tpu.memory_space<vmem_shared>>) dst(%arg11 : memref<80x64xf32, #tpu.memory_space<vmem>>)
      tpu.yield
    }) : () -> ()
    "tpu.region"() ({
      %run_scoped3A_97 = tpu.sem_alloc : memref<!tpu.dma_semaphore, #tpu.memory_space<semaphore_mem>>
      %dma_start3A_98 = tpu.memref_slice %arg6[%add3A_84, %mul3A_0] : memref<10240x128xf32, #tpu.memory_space<hbm>> -> memref<80x64xf32, #tpu.memory_space<hbm>>
      %dma_start3A_99 = tpu.memref_slice %arg6[%add3A_84, %mul3A_0] : memref<10240x128xf32, #tpu.memory_space<hbm>> -> memref<80x64xf32, #tpu.memory_space<hbm>>
      tpu.enqueue_dma source(%arg11 : memref<80x64xf32, #tpu.memory_space<vmem>>) target(%dma_start3A_99 : memref<80x64xf32, #tpu.memory_space<hbm>>) target_semaphore(%run_scoped3A_97 : memref<!tpu.dma_semaphore, #tpu.memory_space<semaphore_mem>>)
      %dma_wait3A_100 = tpu.memref_slice %arg6[%add3A_84, %mul3A_0] : memref<10240x128xf32, #tpu.memory_space<hbm>> -> memref<80x64xf32, #tpu.memory_space<hbm>>
      %dma_wait3A_101 = tpu.memref_slice %arg6[%add3A_84, %mul3A_0] : memref<10240x128xf32, #tpu.memory_space<hbm>> -> memref<80x64xf32, #tpu.memory_space<hbm>>
      tpu.wait_dma2 semaphore(%run_scoped3A_97 : memref<!tpu.dma_semaphore, #tpu.memory_space<semaphore_mem>>) src(%arg11 : memref<80x64xf32, #tpu.memory_space<vmem>>) dst(%dma_wait3A_101 : memref<80x64xf32, #tpu.memory_space<hbm>>)
      tpu.yield
    }) : () -> ()
    %mul3A_85 = arith.constant 640 : i32
    %mul3A_86 = arith.muli %arg1, %mul3A_85 : i32
    %add3A_87 = arith.constant 400 : i32
    %add3A_88 = arith.addi %mul3A_86, %add3A_87 : i32
    "tpu.region"() ({
      %run_scoped3A_97 = tpu.sem_alloc : memref<!tpu.dma_semaphore, #tpu.memory_space<semaphore_mem>>
      %dma_start3A_98 = arith.constant 0 : i32
      %dma_start3A_99 = tpu.memref_slice %arg12[%add3A_88, %dma_start3A_98] : memref<10240x64xf32, #tpu.memory_space<vmem_shared>> -> memref<80x64xf32, #tpu.memory_space<vmem_shared>>
      %dma_start3A_100 = arith.constant 0 : i32
      %dma_start3A_101 = tpu.memref_slice %arg12[%add3A_88, %dma_start3A_100] : memref<10240x64xf32, #tpu.memory_space<vmem_shared>> -> memref<80x64xf32, #tpu.memory_space<vmem_shared>>
      tpu.enqueue_dma source(%dma_start3A_101 : memref<80x64xf32, #tpu.memory_space<vmem_shared>>) target(%arg11 : memref<80x64xf32, #tpu.memory_space<vmem>>) target_semaphore(%run_scoped3A_97 : memref<!tpu.dma_semaphore, #tpu.memory_space<semaphore_mem>>)
      %dma_wait3A_102 = arith.constant 0 : i32
      %dma_wait3A_103 = tpu.memref_slice %arg12[%add3A_88, %dma_wait3A_102] : memref<10240x64xf32, #tpu.memory_space<vmem_shared>> -> memref<80x64xf32, #tpu.memory_space<vmem_shared>>
      %dma_wait3A_104 = arith.constant 0 : i32
      %dma_wait3A_105 = tpu.memref_slice %arg12[%add3A_88, %dma_wait3A_104] : memref<10240x64xf32, #tpu.memory_space<vmem_shared>> -> memref<80x64xf32, #tpu.memory_space<vmem_shared>>
      tpu.wait_dma2 semaphore(%run_scoped3A_97 : memref<!tpu.dma_semaphore, #tpu.memory_space<semaphore_mem>>) src(%dma_wait3A_105 : memref<80x64xf32, #tpu.memory_space<vmem_shared>>) dst(%arg11 : memref<80x64xf32, #tpu.memory_space<vmem>>)
      tpu.yield
    }) : () -> ()
    "tpu.region"() ({
      %run_scoped3A_97 = tpu.sem_alloc : memref<!tpu.dma_semaphore, #tpu.memory_space<semaphore_mem>>
      %dma_start3A_98 = tpu.memref_slice %arg6[%add3A_88, %mul3A_0] : memref<10240x128xf32, #tpu.memory_space<hbm>> -> memref<80x64xf32, #tpu.memory_space<hbm>>
      %dma_start3A_99 = tpu.memref_slice %arg6[%add3A_88, %mul3A_0] : memref<10240x128xf32, #tpu.memory_space<hbm>> -> memref<80x64xf32, #tpu.memory_space<hbm>>
      tpu.enqueue_dma source(%arg11 : memref<80x64xf32, #tpu.memory_space<vmem>>) target(%dma_start3A_99 : memref<80x64xf32, #tpu.memory_space<hbm>>) target_semaphore(%run_scoped3A_97 : memref<!tpu.dma_semaphore, #tpu.memory_space<semaphore_mem>>)
      %dma_wait3A_100 = tpu.memref_slice %arg6[%add3A_88, %mul3A_0] : memref<10240x128xf32, #tpu.memory_space<hbm>> -> memref<80x64xf32, #tpu.memory_space<hbm>>
      %dma_wait3A_101 = tpu.memref_slice %arg6[%add3A_88, %mul3A_0] : memref<10240x128xf32, #tpu.memory_space<hbm>> -> memref<80x64xf32, #tpu.memory_space<hbm>>
      tpu.wait_dma2 semaphore(%run_scoped3A_97 : memref<!tpu.dma_semaphore, #tpu.memory_space<semaphore_mem>>) src(%arg11 : memref<80x64xf32, #tpu.memory_space<vmem>>) dst(%dma_wait3A_101 : memref<80x64xf32, #tpu.memory_space<hbm>>)
      tpu.yield
    }) : () -> ()
    %mul3A_89 = arith.constant 640 : i32
    %mul3A_90 = arith.muli %arg1, %mul3A_89 : i32
    %add3A_91 = arith.constant 480 : i32
    %add3A_92 = arith.addi %mul3A_90, %add3A_91 : i32
    "tpu.region"() ({
      %run_scoped3A_97 = tpu.sem_alloc : memref<!tpu.dma_semaphore, #tpu.memory_space<semaphore_mem>>
      %dma_start3A_98 = arith.constant 0 : i32
      %dma_start3A_99 = tpu.memref_slice %arg12[%add3A_92, %dma_start3A_98] : memref<10240x64xf32, #tpu.memory_space<vmem_shared>> -> memref<80x64xf32, #tpu.memory_space<vmem_shared>>
      %dma_start3A_100 = arith.constant 0 : i32
      %dma_start3A_101 = tpu.memref_slice %arg12[%add3A_92, %dma_start3A_100] : memref<10240x64xf32, #tpu.memory_space<vmem_shared>> -> memref<80x64xf32, #tpu.memory_space<vmem_shared>>
      tpu.enqueue_dma source(%dma_start3A_101 : memref<80x64xf32, #tpu.memory_space<vmem_shared>>) target(%arg11 : memref<80x64xf32, #tpu.memory_space<vmem>>) target_semaphore(%run_scoped3A_97 : memref<!tpu.dma_semaphore, #tpu.memory_space<semaphore_mem>>)
      %dma_wait3A_102 = arith.constant 0 : i32
      %dma_wait3A_103 = tpu.memref_slice %arg12[%add3A_92, %dma_wait3A_102] : memref<10240x64xf32, #tpu.memory_space<vmem_shared>> -> memref<80x64xf32, #tpu.memory_space<vmem_shared>>
      %dma_wait3A_104 = arith.constant 0 : i32
      %dma_wait3A_105 = tpu.memref_slice %arg12[%add3A_92, %dma_wait3A_104] : memref<10240x64xf32, #tpu.memory_space<vmem_shared>> -> memref<80x64xf32, #tpu.memory_space<vmem_shared>>
      tpu.wait_dma2 semaphore(%run_scoped3A_97 : memref<!tpu.dma_semaphore, #tpu.memory_space<semaphore_mem>>) src(%dma_wait3A_105 : memref<80x64xf32, #tpu.memory_space<vmem_shared>>) dst(%arg11 : memref<80x64xf32, #tpu.memory_space<vmem>>)
      tpu.yield
    }) : () -> ()
    "tpu.region"() ({
      %run_scoped3A_97 = tpu.sem_alloc : memref<!tpu.dma_semaphore, #tpu.memory_space<semaphore_mem>>
      %dma_start3A_98 = tpu.memref_slice %arg6[%add3A_92, %mul3A_0] : memref<10240x128xf32, #tpu.memory_space<hbm>> -> memref<80x64xf32, #tpu.memory_space<hbm>>
      %dma_start3A_99 = tpu.memref_slice %arg6[%add3A_92, %mul3A_0] : memref<10240x128xf32, #tpu.memory_space<hbm>> -> memref<80x64xf32, #tpu.memory_space<hbm>>
      tpu.enqueue_dma source(%arg11 : memref<80x64xf32, #tpu.memory_space<vmem>>) target(%dma_start3A_99 : memref<80x64xf32, #tpu.memory_space<hbm>>) target_semaphore(%run_scoped3A_97 : memref<!tpu.dma_semaphore, #tpu.memory_space<semaphore_mem>>)
      %dma_wait3A_100 = tpu.memref_slice %arg6[%add3A_92, %mul3A_0] : memref<10240x128xf32, #tpu.memory_space<hbm>> -> memref<80x64xf32, #tpu.memory_space<hbm>>
      %dma_wait3A_101 = tpu.memref_slice %arg6[%add3A_92, %mul3A_0] : memref<10240x128xf32, #tpu.memory_space<hbm>> -> memref<80x64xf32, #tpu.memory_space<hbm>>
      tpu.wait_dma2 semaphore(%run_scoped3A_97 : memref<!tpu.dma_semaphore, #tpu.memory_space<semaphore_mem>>) src(%arg11 : memref<80x64xf32, #tpu.memory_space<vmem>>) dst(%dma_wait3A_101 : memref<80x64xf32, #tpu.memory_space<hbm>>)
      tpu.yield
    }) : () -> ()
    %mul3A_93 = arith.constant 640 : i32
    %mul3A_94 = arith.muli %arg1, %mul3A_93 : i32
    %add3A_95 = arith.constant 560 : i32
    %add3A_96 = arith.addi %mul3A_94, %add3A_95 : i32
    "tpu.region"() ({
      %run_scoped3A_97 = tpu.sem_alloc : memref<!tpu.dma_semaphore, #tpu.memory_space<semaphore_mem>>
      %dma_start3A_98 = arith.constant 0 : i32
      %dma_start3A_99 = tpu.memref_slice %arg12[%add3A_96, %dma_start3A_98] : memref<10240x64xf32, #tpu.memory_space<vmem_shared>> -> memref<80x64xf32, #tpu.memory_space<vmem_shared>>
      %dma_start3A_100 = arith.constant 0 : i32
      %dma_start3A_101 = tpu.memref_slice %arg12[%add3A_96, %dma_start3A_100] : memref<10240x64xf32, #tpu.memory_space<vmem_shared>> -> memref<80x64xf32, #tpu.memory_space<vmem_shared>>
      tpu.enqueue_dma source(%dma_start3A_101 : memref<80x64xf32, #tpu.memory_space<vmem_shared>>) target(%arg11 : memref<80x64xf32, #tpu.memory_space<vmem>>) target_semaphore(%run_scoped3A_97 : memref<!tpu.dma_semaphore, #tpu.memory_space<semaphore_mem>>)
      %dma_wait3A_102 = arith.constant 0 : i32
      %dma_wait3A_103 = tpu.memref_slice %arg12[%add3A_96, %dma_wait3A_102] : memref<10240x64xf32, #tpu.memory_space<vmem_shared>> -> memref<80x64xf32, #tpu.memory_space<vmem_shared>>
      %dma_wait3A_104 = arith.constant 0 : i32
      %dma_wait3A_105 = tpu.memref_slice %arg12[%add3A_96, %dma_wait3A_104] : memref<10240x64xf32, #tpu.memory_space<vmem_shared>> -> memref<80x64xf32, #tpu.memory_space<vmem_shared>>
      tpu.wait_dma2 semaphore(%run_scoped3A_97 : memref<!tpu.dma_semaphore, #tpu.memory_space<semaphore_mem>>) src(%dma_wait3A_105 : memref<80x64xf32, #tpu.memory_space<vmem_shared>>) dst(%arg11 : memref<80x64xf32, #tpu.memory_space<vmem>>)
      tpu.yield
    }) : () -> ()
    "tpu.region"() ({
      %run_scoped3A_97 = tpu.sem_alloc : memref<!tpu.dma_semaphore, #tpu.memory_space<semaphore_mem>>
      %dma_start3A_98 = tpu.memref_slice %arg6[%add3A_96, %mul3A_0] : memref<10240x128xf32, #tpu.memory_space<hbm>> -> memref<80x64xf32, #tpu.memory_space<hbm>>
      %dma_start3A_99 = tpu.memref_slice %arg6[%add3A_96, %mul3A_0] : memref<10240x128xf32, #tpu.memory_space<hbm>> -> memref<80x64xf32, #tpu.memory_space<hbm>>
      tpu.enqueue_dma source(%arg11 : memref<80x64xf32, #tpu.memory_space<vmem>>) target(%dma_start3A_99 : memref<80x64xf32, #tpu.memory_space<hbm>>) target_semaphore(%run_scoped3A_97 : memref<!tpu.dma_semaphore, #tpu.memory_space<semaphore_mem>>)
      %dma_wait3A_100 = tpu.memref_slice %arg6[%add3A_96, %mul3A_0] : memref<10240x128xf32, #tpu.memory_space<hbm>> -> memref<80x64xf32, #tpu.memory_space<hbm>>
      %dma_wait3A_101 = tpu.memref_slice %arg6[%add3A_96, %mul3A_0] : memref<10240x128xf32, #tpu.memory_space<hbm>> -> memref<80x64xf32, #tpu.memory_space<hbm>>
      tpu.wait_dma2 semaphore(%run_scoped3A_97 : memref<!tpu.dma_semaphore, #tpu.memory_space<semaphore_mem>>) src(%arg11 : memref<80x64xf32, #tpu.memory_space<vmem>>) dst(%dma_wait3A_101 : memref<80x64xf32, #tpu.memory_space<hbm>>)
      tpu.yield
    }) : () -> ()
    return
  }
}

#map = affine_map<(d0, d1) -> (0, 0)>
#map1 = affine_map<(d0, d1) -> (0, 0, 0, 0)>
#map2 = affine_map<(d0, d1) -> (0, 0, 0)>
module attributes {stable_mosaic.version = 14 : i64} {
  func.func @body(%arg0: i32, %arg1: i32, %arg2: memref<20480x64xf32, #tpu.memory_space<hbm>>, %arg3: memref<2x16x250x80xi32, #tpu.memory_space<hbm>>, %arg4: memref<16x250x80xi32, #tpu.memory_space<hbm>>, %arg5: memref<80x64xf32, #tpu.memory_space<hbm>>, %arg6: memref<10240x128xf32, #tpu.memory_space<hbm>>, %arg7: memref<250x80xi32, #tpu.memory_space<vmem>>, %arg8: memref<250x80xi32, #tpu.memory_space<vmem>>, %arg9: memref<80x64xf32, #tpu.memory_space<vmem>>, %arg10: memref<80x64xf32, #tpu.memory_space<vmem>>, %arg11: memref<80x64xf32, #tpu.memory_space<vmem>>, %arg12: memref<10240x64xf32, #tpu.memory_space<vmem_shared>>, %arg13: memref<!tpu.dma_semaphore, #tpu.memory_space<semaphore_mem>>, %arg14: memref<!tpu.dma_semaphore, #tpu.memory_space<semaphore_mem>>) attributes {dimension_semantics = [#tpu.dimension_semantics<core_parallel>, #tpu.dimension_semantics<subcore_parallel>], iteration_bounds = array<i64: 2, 16>, scalar_prefetch = 0 : i64, scratch_operands = 8 : i64, tpu.core_type = #tpu.core_type<sc_vector_subcore>, window_params = [{transform_indices = #map}, {transform_indices = #map1}, {transform_indices = #map2}, {transform_indices = #map}, {transform_indices = #map}]} {
    %mul3A = arith.constant 64 : i32
    %mul3A_0 = arith.muli %arg0, %mul3A : i32
    "tpu.region"() ({
      %run_scoped3A_97 = tpu.sem_alloc : memref<!tpu.dma_semaphore, #tpu.memory_space<semaphore_mem>>
      %dma_start3A_98 = arith.constant 0 : i32
      %dma_start3A_99 = arith.constant 0 : i32
      %dma_start3A_100 = tpu.memref_slice %arg3[%arg0, %arg1, %dma_start3A_98, %dma_start3A_99] : memref<2x16x250x80xi32, #tpu.memory_space<hbm>> -> memref<1x1x250x80xi32, #tpu.memory_space<hbm>>
      %dma_start3A_101 = tpu.memref_squeeze %dma_start3A_100 : memref<1x1x250x80xi32, #tpu.memory_space<hbm>> -> memref<250x80xi32, #tpu.memory_space<hbm>>
      %dma_start3A_102 = arith.constant 0 : i32
      %dma_start3A_103 = arith.constant 0 : i32
      %dma_start3A_104 = tpu.memref_slice %arg3[%arg0, %arg1, %dma_start3A_102, %dma_start3A_103] : memref<2x16x250x80xi32, #tpu.memory_space<hbm>> -> memref<1x1x250x80xi32, #tpu.memory_space<hbm>>
      %dma_start3A_105 = tpu.memref_squeeze %dma_start3A_104 : memref<1x1x250x80xi32, #tpu.memory_space<hbm>> -> memref<250x80xi32, #tpu.memory_space<hbm>>
      tpu.enqueue_dma source(%dma_start3A_105 : memref<250x80xi32, #tpu.memory_space<hbm>>) target(%arg7 : memref<250x80xi32, #tpu.memory_space<vmem>>) target_semaphore(%run_scoped3A_97 : memref<!tpu.dma_semaphore, #tpu.memory_space<semaphore_mem>>)
      %dma_wait3A_106 = arith.constant 0 : i32
      %dma_wait3A_107 = arith.constant 0 : i32
      %dma_wait3A_108 = tpu.memref_slice %arg3[%arg0, %arg1, %dma_wait3A_106, %dma_wait3A_107] : memref<2x16x250x80xi32, #tpu.memory_space<hbm>> -> memref<1x1x250x80xi32, #tpu.memory_space<hbm>>
      %dma_wait3A_109 = tpu.memref_squeeze %dma_wait3A_108 : memref<1x1x250x80xi32, #tpu.memory_space<hbm>> -> memref<250x80xi32, #tpu.memory_space<hbm>>
      %dma_wait3A_110 = arith.constant 0 : i32
      %dma_wait3A_111 = arith.constant 0 : i32
      %dma_wait3A_112 = tpu.memref_slice %arg3[%arg0, %arg1, %dma_wait3A_110, %dma_wait3A_111] : memref<2x16x250x80xi32, #tpu.memory_space<hbm>> -> memref<1x1x250x80xi32, #tpu.memory_space<hbm>>
      %dma_wait3A_113 = tpu.memref_squeeze %dma_wait3A_112 : memref<1x1x250x80xi32, #tpu.memory_space<hbm>> -> memref<250x80xi32, #tpu.memory_space<hbm>>
      tpu.wait_dma2 semaphore(%run_scoped3A_97 : memref<!tpu.dma_semaphore, #tpu.memory_space<semaphore_mem>>) src(%dma_wait3A_113 : memref<250x80xi32, #tpu.memory_space<hbm>>) dst(%arg7 : memref<250x80xi32, #tpu.memory_space<vmem>>)
      tpu.yield
    }) : () -> ()
    "tpu.region"() ({
      %run_scoped3A_97 = tpu.sem_alloc : memref<!tpu.dma_semaphore, #tpu.memory_space<semaphore_mem>>
      %dma_start3A_98 = arith.constant 0 : i32
      %dma_start3A_99 = arith.constant 0 : i32
      %dma_start3A_100 = tpu.memref_slice %arg4[%arg1, %dma_start3A_98, %dma_start3A_99] : memref<16x250x80xi32, #tpu.memory_space<hbm>> -> memref<1x250x80xi32, #tpu.memory_space<hbm>>
      %dma_start3A_101 = tpu.memref_squeeze %dma_start3A_100 : memref<1x250x80xi32, #tpu.memory_space<hbm>> -> memref<250x80xi32, #tpu.memory_space<hbm>>
      %dma_start3A_102 = arith.constant 0 : i32
      %dma_start3A_103 = arith.constant 0 : i32
      %dma_start3A_104 = tpu.memref_slice %arg4[%arg1, %dma_start3A_102, %dma_start3A_103] : memref<16x250x80xi32, #tpu.memory_space<hbm>> -> memref<1x250x80xi32, #tpu.memory_space<hbm>>
      %dma_start3A_105 = tpu.memref_squeeze %dma_start3A_104 : memref<1x250x80xi32, #tpu.memory_space<hbm>> -> memref<250x80xi32, #tpu.memory_space<hbm>>
      tpu.enqueue_dma source(%dma_start3A_105 : memref<250x80xi32, #tpu.memory_space<hbm>>) target(%arg8 : memref<250x80xi32, #tpu.memory_space<vmem>>) target_semaphore(%run_scoped3A_97 : memref<!tpu.dma_semaphore, #tpu.memory_space<semaphore_mem>>)
      %dma_wait3A_106 = arith.constant 0 : i32
      %dma_wait3A_107 = arith.constant 0 : i32
      %dma_wait3A_108 = tpu.memref_slice %arg4[%arg1, %dma_wait3A_106, %dma_wait3A_107] : memref<16x250x80xi32, #tpu.memory_space<hbm>> -> memref<1x250x80xi32, #tpu.memory_space<hbm>>
      %dma_wait3A_109 = tpu.memref_squeeze %dma_wait3A_108 : memref<1x250x80xi32, #tpu.memory_space<hbm>> -> memref<250x80xi32, #tpu.memory_space<hbm>>
      %dma_wait3A_110 = arith.constant 0 : i32
      %dma_wait3A_111 = arith.constant 0 : i32
      %dma_wait3A_112 = tpu.memref_slice %arg4[%arg1, %dma_wait3A_110, %dma_wait3A_111] : memref<16x250x80xi32, #tpu.memory_space<hbm>> -> memref<1x250x80xi32, #tpu.memory_space<hbm>>
      %dma_wait3A_113 = tpu.memref_squeeze %dma_wait3A_112 : memref<1x250x80xi32, #tpu.memory_space<hbm>> -> memref<250x80xi32, #tpu.memory_space<hbm>>
      tpu.wait_dma2 semaphore(%run_scoped3A_97 : memref<!tpu.dma_semaphore, #tpu.memory_space<semaphore_mem>>) src(%dma_wait3A_113 : memref<250x80xi32, #tpu.memory_space<hbm>>) dst(%arg8 : memref<250x80xi32, #tpu.memory_space<vmem>>)
      tpu.yield
    }) : () -> ()
    "tpu.region"() ({
      %run_scoped3A_97 = tpu.sem_alloc : memref<!tpu.dma_semaphore, #tpu.memory_space<semaphore_mem>>
      tpu.enqueue_dma source(%arg5 : memref<80x64xf32, #tpu.memory_space<hbm>>) target(%arg11 : memref<80x64xf32, #tpu.memory_space<vmem>>) target_semaphore(%run_scoped3A_97 : memref<!tpu.dma_semaphore, #tpu.memory_space<semaphore_mem>>)
      tpu.wait_dma2 semaphore(%run_scoped3A_97 : memref<!tpu.dma_semaphore, #tpu.memory_space<semaphore_mem>>) src(%arg5 : memref<80x64xf32, #tpu.memory_space<hbm>>) dst(%arg11 : memref<80x64xf32, #tpu.memory_space<vmem>>)
      tpu.yield
    }) : () -> ()
    %mul3A_1 = arith.constant 640 : i32
    %mul3A_2 = arith.muli %arg1, %mul3A_1 : i32
    %add3A = arith.constant 0 : i32
    %add3A_3 = arith.addi %mul3A_2, %add3A : i32
    "tpu.region"() ({
      %run_scoped3A_97 = tpu.sem_alloc : memref<!tpu.dma_semaphore, #tpu.memory_space<semaphore_mem>>
      %dma_start3A_98 = arith.constant 0 : i32
      %dma_start3A_99 = tpu.memref_slice %arg12[%add3A_3, %dma_start3A_98] : memref<10240x64xf32, #tpu.memory_space<vmem_shared>> -> memref<80x64xf32, #tpu.memory_space<vmem_shared>>
      %dma_start3A_100 = arith.constant 0 : i32
      %dma_start3A_101 = tpu.memref_slice %arg12[%add3A_3, %dma_start3A_100] : memref<10240x64xf32, #tpu.memory_space<vmem_shared>> -> memref<80x64xf32, #tpu.memory_space<vmem_shared>>
      tpu.enqueue_dma source(%arg11 : memref<80x64xf32, #tpu.memory_space<vmem>>) target(%dma_start3A_101 : memref<80x64xf32, #tpu.memory_space<vmem_shared>>) target_semaphore(%run_scoped3A_97 : memref<!tpu.dma_semaphore, #tpu.memory_space<semaphore_mem>>)
      %dma_wait3A_102 = arith.constant 0 : i32
      %dma_wait3A_103 = tpu.memref_slice %arg12[%add3A_3, %dma_wait3A_102] : memref<10240x64xf32, #tpu.memory_space<vmem_shared>> -> memref<80x64xf32, #tpu.memory_space<vmem_shared>>
      %dma_wait3A_104 = arith.constant 0 : i32
      %dma_wait3A_105 = tpu.memref_slice %arg12[%add3A_3, %dma_wait3A_104] : memref<10240x64xf32, #tpu.memory_space<vmem_shared>> -> memref<80x64xf32, #tpu.memory_space<vmem_shared>>
      tpu.wait_dma2 semaphore(%run_scoped3A_97 : memref<!tpu.dma_semaphore, #tpu.memory_space<semaphore_mem>>) src(%arg11 : memref<80x64xf32, #tpu.memory_space<vmem>>) dst(%dma_wait3A_105 : memref<80x64xf32, #tpu.memory_space<vmem_shared>>)
      tpu.yield
    }) : () -> ()
    %mul3A_4 = arith.constant 640 : i32
    %mul3A_5 = arith.muli %arg1, %mul3A_4 : i32
    %add3A_6 = arith.constant 80 : i32
    %add3A_7 = arith.addi %mul3A_5, %add3A_6 : i32
    "tpu.region"() ({
      %run_scoped3A_97 = tpu.sem_alloc : memref<!tpu.dma_semaphore, #tpu.memory_space<semaphore_mem>>
      %dma_start3A_98 = arith.constant 0 : i32
      %dma_start3A_99 = tpu.memref_slice %arg12[%add3A_7, %dma_start3A_98] : memref<10240x64xf32, #tpu.memory_space<vmem_shared>> -> memref<80x64xf32, #tpu.memory_space<vmem_shared>>
      %dma_start3A_100 = arith.constant 0 : i32
      %dma_start3A_101 = tpu.memref_slice %arg12[%add3A_7, %dma_start3A_100] : memref<10240x64xf32, #tpu.memory_space<vmem_shared>> -> memref<80x64xf32, #tpu.memory_space<vmem_shared>>
      tpu.enqueue_dma source(%arg11 : memref<80x64xf32, #tpu.memory_space<vmem>>) target(%dma_start3A_101 : memref<80x64xf32, #tpu.memory_space<vmem_shared>>) target_semaphore(%run_scoped3A_97 : memref<!tpu.dma_semaphore, #tpu.memory_space<semaphore_mem>>)
      %dma_wait3A_102 = arith.constant 0 : i32
      %dma_wait3A_103 = tpu.memref_slice %arg12[%add3A_7, %dma_wait3A_102] : memref<10240x64xf32, #tpu.memory_space<vmem_shared>> -> memref<80x64xf32, #tpu.memory_space<vmem_shared>>
      %dma_wait3A_104 = arith.constant 0 : i32
      %dma_wait3A_105 = tpu.memref_slice %arg12[%add3A_7, %dma_wait3A_104] : memref<10240x64xf32, #tpu.memory_space<vmem_shared>> -> memref<80x64xf32, #tpu.memory_space<vmem_shared>>
      tpu.wait_dma2 semaphore(%run_scoped3A_97 : memref<!tpu.dma_semaphore, #tpu.memory_space<semaphore_mem>>) src(%arg11 : memref<80x64xf32, #tpu.memory_space<vmem>>) dst(%dma_wait3A_105 : memref<80x64xf32, #tpu.memory_space<vmem_shared>>)
      tpu.yield
    }) : () -> ()
    %mul3A_8 = arith.constant 640 : i32
    %mul3A_9 = arith.muli %arg1, %mul3A_8 : i32
    %add3A_10 = arith.constant 160 : i32
    %add3A_11 = arith.addi %mul3A_9, %add3A_10 : i32
    "tpu.region"() ({
      %run_scoped3A_97 = tpu.sem_alloc : memref<!tpu.dma_semaphore, #tpu.memory_space<semaphore_mem>>
      %dma_start3A_98 = arith.constant 0 : i32
      %dma_start3A_99 = tpu.memref_slice %arg12[%add3A_11, %dma_start3A_98] : memref<10240x64xf32, #tpu.memory_space<vmem_shared>> -> memref<80x64xf32, #tpu.memory_space<vmem_shared>>
      %dma_start3A_100 = arith.constant 0 : i32
      %dma_start3A_101 = tpu.memref_slice %arg12[%add3A_11, %dma_start3A_100] : memref<10240x64xf32, #tpu.memory_space<vmem_shared>> -> memref<80x64xf32, #tpu.memory_space<vmem_shared>>
      tpu.enqueue_dma source(%arg11 : memref<80x64xf32, #tpu.memory_space<vmem>>) target(%dma_start3A_101 : memref<80x64xf32, #tpu.memory_space<vmem_shared>>) target_semaphore(%run_scoped3A_97 : memref<!tpu.dma_semaphore, #tpu.memory_space<semaphore_mem>>)
      %dma_wait3A_102 = arith.constant 0 : i32
      %dma_wait3A_103 = tpu.memref_slice %arg12[%add3A_11, %dma_wait3A_102] : memref<10240x64xf32, #tpu.memory_space<vmem_shared>> -> memref<80x64xf32, #tpu.memory_space<vmem_shared>>
      %dma_wait3A_104 = arith.constant 0 : i32
      %dma_wait3A_105 = tpu.memref_slice %arg12[%add3A_11, %dma_wait3A_104] : memref<10240x64xf32, #tpu.memory_space<vmem_shared>> -> memref<80x64xf32, #tpu.memory_space<vmem_shared>>
      tpu.wait_dma2 semaphore(%run_scoped3A_97 : memref<!tpu.dma_semaphore, #tpu.memory_space<semaphore_mem>>) src(%arg11 : memref<80x64xf32, #tpu.memory_space<vmem>>) dst(%dma_wait3A_105 : memref<80x64xf32, #tpu.memory_space<vmem_shared>>)
      tpu.yield
    }) : () -> ()
    %mul3A_12 = arith.constant 640 : i32
    %mul3A_13 = arith.muli %arg1, %mul3A_12 : i32
    %add3A_14 = arith.constant 240 : i32
    %add3A_15 = arith.addi %mul3A_13, %add3A_14 : i32
    "tpu.region"() ({
      %run_scoped3A_97 = tpu.sem_alloc : memref<!tpu.dma_semaphore, #tpu.memory_space<semaphore_mem>>
      %dma_start3A_98 = arith.constant 0 : i32
      %dma_start3A_99 = tpu.memref_slice %arg12[%add3A_15, %dma_start3A_98] : memref<10240x64xf32, #tpu.memory_space<vmem_shared>> -> memref<80x64xf32, #tpu.memory_space<vmem_shared>>
      %dma_start3A_100 = arith.constant 0 : i32
      %dma_start3A_101 = tpu.memref_slice %arg12[%add3A_15, %dma_start3A_100] : memref<10240x64xf32, #tpu.memory_space<vmem_shared>> -> memref<80x64xf32, #tpu.memory_space<vmem_shared>>
      tpu.enqueue_dma source(%arg11 : memref<80x64xf32, #tpu.memory_space<vmem>>) target(%dma_start3A_101 : memref<80x64xf32, #tpu.memory_space<vmem_shared>>) target_semaphore(%run_scoped3A_97 : memref<!tpu.dma_semaphore, #tpu.memory_space<semaphore_mem>>)
      %dma_wait3A_102 = arith.constant 0 : i32
      %dma_wait3A_103 = tpu.memref_slice %arg12[%add3A_15, %dma_wait3A_102] : memref<10240x64xf32, #tpu.memory_space<vmem_shared>> -> memref<80x64xf32, #tpu.memory_space<vmem_shared>>
      %dma_wait3A_104 = arith.constant 0 : i32
      %dma_wait3A_105 = tpu.memref_slice %arg12[%add3A_15, %dma_wait3A_104] : memref<10240x64xf32, #tpu.memory_space<vmem_shared>> -> memref<80x64xf32, #tpu.memory_space<vmem_shared>>
      tpu.wait_dma2 semaphore(%run_scoped3A_97 : memref<!tpu.dma_semaphore, #tpu.memory_space<semaphore_mem>>) src(%arg11 : memref<80x64xf32, #tpu.memory_space<vmem>>) dst(%dma_wait3A_105 : memref<80x64xf32, #tpu.memory_space<vmem_shared>>)
      tpu.yield
    }) : () -> ()
    %mul3A_16 = arith.constant 640 : i32
    %mul3A_17 = arith.muli %arg1, %mul3A_16 : i32
    %add3A_18 = arith.constant 320 : i32
    %add3A_19 = arith.addi %mul3A_17, %add3A_18 : i32
    "tpu.region"() ({
      %run_scoped3A_97 = tpu.sem_alloc : memref<!tpu.dma_semaphore, #tpu.memory_space<semaphore_mem>>
      %dma_start3A_98 = arith.constant 0 : i32
      %dma_start3A_99 = tpu.memref_slice %arg12[%add3A_19, %dma_start3A_98] : memref<10240x64xf32, #tpu.memory_space<vmem_shared>> -> memref<80x64xf32, #tpu.memory_space<vmem_shared>>
      %dma_start3A_100 = arith.constant 0 : i32
      %dma_start3A_101 = tpu.memref_slice %arg12[%add3A_19, %dma_start3A_100] : memref<10240x64xf32, #tpu.memory_space<vmem_shared>> -> memref<80x64xf32, #tpu.memory_space<vmem_shared>>
      tpu.enqueue_dma source(%arg11 : memref<80x64xf32, #tpu.memory_space<vmem>>) target(%dma_start3A_101 : memref<80x64xf32, #tpu.memory_space<vmem_shared>>) target_semaphore(%run_scoped3A_97 : memref<!tpu.dma_semaphore, #tpu.memory_space<semaphore_mem>>)
      %dma_wait3A_102 = arith.constant 0 : i32
      %dma_wait3A_103 = tpu.memref_slice %arg12[%add3A_19, %dma_wait3A_102] : memref<10240x64xf32, #tpu.memory_space<vmem_shared>> -> memref<80x64xf32, #tpu.memory_space<vmem_shared>>
      %dma_wait3A_104 = arith.constant 0 : i32
      %dma_wait3A_105 = tpu.memref_slice %arg12[%add3A_19, %dma_wait3A_104] : memref<10240x64xf32, #tpu.memory_space<vmem_shared>> -> memref<80x64xf32, #tpu.memory_space<vmem_shared>>
      tpu.wait_dma2 semaphore(%run_scoped3A_97 : memref<!tpu.dma_semaphore, #tpu.memory_space<semaphore_mem>>) src(%arg11 : memref<80x64xf32, #tpu.memory_space<vmem>>) dst(%dma_wait3A_105 : memref<80x64xf32, #tpu.memory_space<vmem_shared>>)
      tpu.yield
    }) : () -> ()
    %mul3A_20 = arith.constant 640 : i32
    %mul3A_21 = arith.muli %arg1, %mul3A_20 : i32
    %add3A_22 = arith.constant 400 : i32
    %add3A_23 = arith.addi %mul3A_21, %add3A_22 : i32
    "tpu.region"() ({
      %run_scoped3A_97 = tpu.sem_alloc : memref<!tpu.dma_semaphore, #tpu.memory_space<semaphore_mem>>
      %dma_start3A_98 = arith.constant 0 : i32
      %dma_start3A_99 = tpu.memref_slice %arg12[%add3A_23, %dma_start3A_98] : memref<10240x64xf32, #tpu.memory_space<vmem_shared>> -> memref<80x64xf32, #tpu.memory_space<vmem_shared>>
      %dma_start3A_100 = arith.constant 0 : i32
      %dma_start3A_101 = tpu.memref_slice %arg12[%add3A_23, %dma_start3A_100] : memref<10240x64xf32, #tpu.memory_space<vmem_shared>> -> memref<80x64xf32, #tpu.memory_space<vmem_shared>>
      tpu.enqueue_dma source(%arg11 : memref<80x64xf32, #tpu.memory_space<vmem>>) target(%dma_start3A_101 : memref<80x64xf32, #tpu.memory_space<vmem_shared>>) target_semaphore(%run_scoped3A_97 : memref<!tpu.dma_semaphore, #tpu.memory_space<semaphore_mem>>)
      %dma_wait3A_102 = arith.constant 0 : i32
      %dma_wait3A_103 = tpu.memref_slice %arg12[%add3A_23, %dma_wait3A_102] : memref<10240x64xf32, #tpu.memory_space<vmem_shared>> -> memref<80x64xf32, #tpu.memory_space<vmem_shared>>
      %dma_wait3A_104 = arith.constant 0 : i32
      %dma_wait3A_105 = tpu.memref_slice %arg12[%add3A_23, %dma_wait3A_104] : memref<10240x64xf32, #tpu.memory_space<vmem_shared>> -> memref<80x64xf32, #tpu.memory_space<vmem_shared>>
      tpu.wait_dma2 semaphore(%run_scoped3A_97 : memref<!tpu.dma_semaphore, #tpu.memory_space<semaphore_mem>>) src(%arg11 : memref<80x64xf32, #tpu.memory_space<vmem>>) dst(%dma_wait3A_105 : memref<80x64xf32, #tpu.memory_space<vmem_shared>>)
      tpu.yield
    }) : () -> ()
    %mul3A_24 = arith.constant 640 : i32
    %mul3A_25 = arith.muli %arg1, %mul3A_24 : i32
    %add3A_26 = arith.constant 480 : i32
    %add3A_27 = arith.addi %mul3A_25, %add3A_26 : i32
    "tpu.region"() ({
      %run_scoped3A_97 = tpu.sem_alloc : memref<!tpu.dma_semaphore, #tpu.memory_space<semaphore_mem>>
      %dma_start3A_98 = arith.constant 0 : i32
      %dma_start3A_99 = tpu.memref_slice %arg12[%add3A_27, %dma_start3A_98] : memref<10240x64xf32, #tpu.memory_space<vmem_shared>> -> memref<80x64xf32, #tpu.memory_space<vmem_shared>>
      %dma_start3A_100 = arith.constant 0 : i32
      %dma_start3A_101 = tpu.memref_slice %arg12[%add3A_27, %dma_start3A_100] : memref<10240x64xf32, #tpu.memory_space<vmem_shared>> -> memref<80x64xf32, #tpu.memory_space<vmem_shared>>
      tpu.enqueue_dma source(%arg11 : memref<80x64xf32, #tpu.memory_space<vmem>>) target(%dma_start3A_101 : memref<80x64xf32, #tpu.memory_space<vmem_shared>>) target_semaphore(%run_scoped3A_97 : memref<!tpu.dma_semaphore, #tpu.memory_space<semaphore_mem>>)
      %dma_wait3A_102 = arith.constant 0 : i32
      %dma_wait3A_103 = tpu.memref_slice %arg12[%add3A_27, %dma_wait3A_102] : memref<10240x64xf32, #tpu.memory_space<vmem_shared>> -> memref<80x64xf32, #tpu.memory_space<vmem_shared>>
      %dma_wait3A_104 = arith.constant 0 : i32
      %dma_wait3A_105 = tpu.memref_slice %arg12[%add3A_27, %dma_wait3A_104] : memref<10240x64xf32, #tpu.memory_space<vmem_shared>> -> memref<80x64xf32, #tpu.memory_space<vmem_shared>>
      tpu.wait_dma2 semaphore(%run_scoped3A_97 : memref<!tpu.dma_semaphore, #tpu.memory_space<semaphore_mem>>) src(%arg11 : memref<80x64xf32, #tpu.memory_space<vmem>>) dst(%dma_wait3A_105 : memref<80x64xf32, #tpu.memory_space<vmem_shared>>)
      tpu.yield
    }) : () -> ()
    %mul3A_28 = arith.constant 640 : i32
    %mul3A_29 = arith.muli %arg1, %mul3A_28 : i32
    %add3A_30 = arith.constant 560 : i32
    %add3A_31 = arith.addi %mul3A_29, %add3A_30 : i32
    "tpu.region"() ({
      %run_scoped3A_97 = tpu.sem_alloc : memref<!tpu.dma_semaphore, #tpu.memory_space<semaphore_mem>>
      %dma_start3A_98 = arith.constant 0 : i32
      %dma_start3A_99 = tpu.memref_slice %arg12[%add3A_31, %dma_start3A_98] : memref<10240x64xf32, #tpu.memory_space<vmem_shared>> -> memref<80x64xf32, #tpu.memory_space<vmem_shared>>
      %dma_start3A_100 = arith.constant 0 : i32
      %dma_start3A_101 = tpu.memref_slice %arg12[%add3A_31, %dma_start3A_100] : memref<10240x64xf32, #tpu.memory_space<vmem_shared>> -> memref<80x64xf32, #tpu.memory_space<vmem_shared>>
      tpu.enqueue_dma source(%arg11 : memref<80x64xf32, #tpu.memory_space<vmem>>) target(%dma_start3A_101 : memref<80x64xf32, #tpu.memory_space<vmem_shared>>) target_semaphore(%run_scoped3A_97 : memref<!tpu.dma_semaphore, #tpu.memory_space<semaphore_mem>>)
      %dma_wait3A_102 = arith.constant 0 : i32
      %dma_wait3A_103 = tpu.memref_slice %arg12[%add3A_31, %dma_wait3A_102] : memref<10240x64xf32, #tpu.memory_space<vmem_shared>> -> memref<80x64xf32, #tpu.memory_space<vmem_shared>>
      %dma_wait3A_104 = arith.constant 0 : i32
      %dma_wait3A_105 = tpu.memref_slice %arg12[%add3A_31, %dma_wait3A_104] : memref<10240x64xf32, #tpu.memory_space<vmem_shared>> -> memref<80x64xf32, #tpu.memory_space<vmem_shared>>
      tpu.wait_dma2 semaphore(%run_scoped3A_97 : memref<!tpu.dma_semaphore, #tpu.memory_space<semaphore_mem>>) src(%arg11 : memref<80x64xf32, #tpu.memory_space<vmem>>) dst(%dma_wait3A_105 : memref<80x64xf32, #tpu.memory_space<vmem_shared>>)
      tpu.yield
    }) : () -> ()
    %barrier3A = arith.constant 0 : index
    tpu.barrier barrier_id(%barrier3A)
    %dma_start3A = arith.constant 0 : i32
    %dma_start3A_32 = arith.constant 0 : i32
    %dma_start3A_33 = tpu.memref_slice %arg7[%dma_start3A, %dma_start3A_32] : memref<250x80xi32, #tpu.memory_space<vmem>> -> memref<1x80xi32, #tpu.memory_space<vmem>>
    %dma_start3A_34 = tpu.memref_squeeze %dma_start3A_33 : memref<1x80xi32, #tpu.memory_space<vmem>> -> memref<80xi32, #tpu.memory_space<vmem>>
    %dma_start3A_35 = arith.constant 0 : i32
    %dma_start3A_36 = arith.constant 0 : i32
    %dma_start3A_37 = tpu.memref_slice %arg2[%dma_start3A_35, %dma_start3A_36] : memref<20480x64xf32, #tpu.memory_space<hbm>> -> memref<20480x64xf32, #tpu.memory_space<hbm>>
    tpu.enqueue_indirect_dma source(%dma_start3A_37 : memref<20480x64xf32, #tpu.memory_space<hbm>>) target(%arg9 : memref<80x64xf32, #tpu.memory_space<vmem>>) offsets(%dma_start3A_34 : memref<80xi32, #tpu.memory_space<vmem>>) semaphore(%arg13 : memref<!tpu.dma_semaphore, #tpu.memory_space<semaphore_mem>>)
    %dma_start3A_38 = arith.constant 1 : i32
    %dma_start3A_39 = arith.constant 0 : i32
    %dma_start3A_40 = tpu.memref_slice %arg7[%dma_start3A_38, %dma_start3A_39] : memref<250x80xi32, #tpu.memory_space<vmem>> -> memref<1x80xi32, #tpu.memory_space<vmem>>
    %dma_start3A_41 = tpu.memref_squeeze %dma_start3A_40 : memref<1x80xi32, #tpu.memory_space<vmem>> -> memref<80xi32, #tpu.memory_space<vmem>>
    %dma_start3A_42 = arith.constant 0 : i32
    %dma_start3A_43 = arith.constant 0 : i32
    %dma_start3A_44 = tpu.memref_slice %arg2[%dma_start3A_42, %dma_start3A_43] : memref<20480x64xf32, #tpu.memory_space<hbm>> -> memref<20480x64xf32, #tpu.memory_space<hbm>>
    tpu.enqueue_indirect_dma source(%dma_start3A_44 : memref<20480x64xf32, #tpu.memory_space<hbm>>) target(%arg10 : memref<80x64xf32, #tpu.memory_space<vmem>>) offsets(%dma_start3A_41 : memref<80xi32, #tpu.memory_space<vmem>>) semaphore(%arg14 : memref<!tpu.dma_semaphore, #tpu.memory_space<semaphore_mem>>)
    %scan3A = arith.constant 0 : i32
    %scan3A_45 = arith.constant 0 : i32
    %scan3A_46 = arith.constant 124 : i32
    %scan3A_47 = arith.addi %scan3A_45, %scan3A_46 : i32
    %scan3A_48 = arith.constant 1 : i32
    scf.for %scan3A_97 = %scan3A_45 to %scan3A_47 step %scan3A_48  : i32 {
      %mul3A_98 = arith.constant 2 : i32
      %mul3A_99 = arith.muli %mul3A_98, %scan3A_97 : i32
      %add3A_100 = arith.constant 0 : i32
      %add3A_101 = arith.addi %mul3A_99, %add3A_100 : i32
      %dma_wait3A_102 = arith.constant 0 : i32
      %dma_wait3A_103 = tpu.memref_slice %arg7[%add3A_101, %dma_wait3A_102] : memref<250x80xi32, #tpu.memory_space<vmem>> -> memref<1x80xi32, #tpu.memory_space<vmem>>
      %dma_wait3A_104 = tpu.memref_squeeze %dma_wait3A_103 : memref<1x80xi32, #tpu.memory_space<vmem>> -> memref<80xi32, #tpu.memory_space<vmem>>
      %dma_wait3A_105 = arith.constant 0 : i32
      %dma_wait3A_106 = arith.constant 0 : i32
      %dma_wait3A_107 = tpu.memref_slice %arg2[%dma_wait3A_105, %dma_wait3A_106] : memref<20480x64xf32, #tpu.memory_space<hbm>> -> memref<20480x64xf32, #tpu.memory_space<hbm>>
      tpu.wait_indirect_dma semaphore(%arg13 : memref<!tpu.dma_semaphore, #tpu.memory_space<semaphore_mem>>) src(%dma_wait3A_107 : memref<20480x64xf32, #tpu.memory_space<hbm>>) dst(%arg9 : memref<80x64xf32, #tpu.memory_space<vmem>>)
      %add3A_108 = arith.constant 0 : i32
      %add3A_109 = arith.addi %mul3A_99, %add3A_108 : i32
      "tpu.region"() ({
        %run_scoped3A_140 = tpu.sem_alloc : memref<!tpu.dma_semaphore, #tpu.memory_space<semaphore_mem>>
        %dma_start3A_141 = arith.constant 0 : i32
        %dma_start3A_142 = tpu.memref_slice %arg8[%add3A_109, %dma_start3A_141] : memref<250x80xi32, #tpu.memory_space<vmem>> -> memref<1x80xi32, #tpu.memory_space<vmem>>
        %dma_start3A_143 = tpu.memref_squeeze %dma_start3A_142 : memref<1x80xi32, #tpu.memory_space<vmem>> -> memref<80xi32, #tpu.memory_space<vmem>>
        %dma_start3A_144 = arith.constant 0 : i32
        %dma_start3A_145 = arith.constant 0 : i32
        %dma_start3A_146 = tpu.memref_slice %arg12[%dma_start3A_144, %dma_start3A_145] : memref<10240x64xf32, #tpu.memory_space<vmem_shared>> -> memref<10240x64xf32, #tpu.memory_space<vmem_shared>>
        tpu.enqueue_indirect_dma source(%arg9 : memref<80x64xf32, #tpu.memory_space<vmem>>) target(%dma_start3A_146 : memref<10240x64xf32, #tpu.memory_space<vmem_shared>>) offsets(%dma_start3A_143 : memref<80xi32, #tpu.memory_space<vmem>>) semaphore(%run_scoped3A_140 : memref<!tpu.dma_semaphore, #tpu.memory_space<semaphore_mem>>) {add = true}
        %dma_wait3A_147 = arith.constant 0 : i32
        %dma_wait3A_148 = tpu.memref_slice %arg8[%add3A_109, %dma_wait3A_147] : memref<250x80xi32, #tpu.memory_space<vmem>> -> memref<1x80xi32, #tpu.memory_space<vmem>>
        %dma_wait3A_149 = tpu.memref_squeeze %dma_wait3A_148 : memref<1x80xi32, #tpu.memory_space<vmem>> -> memref<80xi32, #tpu.memory_space<vmem>>
        %dma_wait3A_150 = arith.constant 0 : i32
        %dma_wait3A_151 = arith.constant 0 : i32
        %dma_wait3A_152 = tpu.memref_slice %arg12[%dma_wait3A_150, %dma_wait3A_151] : memref<10240x64xf32, #tpu.memory_space<vmem_shared>> -> memref<10240x64xf32, #tpu.memory_space<vmem_shared>>
        tpu.wait_indirect_dma semaphore(%run_scoped3A_140 : memref<!tpu.dma_semaphore, #tpu.memory_space<semaphore_mem>>) src(%arg9 : memref<80x64xf32, #tpu.memory_space<vmem>>) dst(%dma_wait3A_152 : memref<10240x64xf32, #tpu.memory_space<vmem_shared>>)
        tpu.yield
      }) : () -> ()
      %add3A_110 = arith.constant 2 : i32
      %add3A_111 = arith.addi %mul3A_99, %add3A_110 : i32
      %add3A_112 = arith.constant 0 : i32
      %add3A_113 = arith.addi %add3A_111, %add3A_112 : i32
      %dma_start3A_114 = arith.constant 0 : i32
      %dma_start3A_115 = tpu.memref_slice %arg7[%add3A_113, %dma_start3A_114] : memref<250x80xi32, #tpu.memory_space<vmem>> -> memref<1x80xi32, #tpu.memory_space<vmem>>
      %dma_start3A_116 = tpu.memref_squeeze %dma_start3A_115 : memref<1x80xi32, #tpu.memory_space<vmem>> -> memref<80xi32, #tpu.memory_space<vmem>>
      %dma_start3A_117 = arith.constant 0 : i32
      %dma_start3A_118 = arith.constant 0 : i32
      %dma_start3A_119 = tpu.memref_slice %arg2[%dma_start3A_117, %dma_start3A_118] : memref<20480x64xf32, #tpu.memory_space<hbm>> -> memref<20480x64xf32, #tpu.memory_space<hbm>>
      tpu.enqueue_indirect_dma source(%dma_start3A_119 : memref<20480x64xf32, #tpu.memory_space<hbm>>) target(%arg9 : memref<80x64xf32, #tpu.memory_space<vmem>>) offsets(%dma_start3A_116 : memref<80xi32, #tpu.memory_space<vmem>>) semaphore(%arg13 : memref<!tpu.dma_semaphore, #tpu.memory_space<semaphore_mem>>)
      %add3A_120 = arith.constant 1 : i32
      %add3A_121 = arith.addi %mul3A_99, %add3A_120 : i32
      %dma_wait3A_122 = arith.constant 0 : i32
      %dma_wait3A_123 = tpu.memref_slice %arg7[%add3A_121, %dma_wait3A_122] : memref<250x80xi32, #tpu.memory_space<vmem>> -> memref<1x80xi32, #tpu.memory_space<vmem>>
      %dma_wait3A_124 = tpu.memref_squeeze %dma_wait3A_123 : memref<1x80xi32, #tpu.memory_space<vmem>> -> memref<80xi32, #tpu.memory_space<vmem>>
      %dma_wait3A_125 = arith.constant 0 : i32
      %dma_wait3A_126 = arith.constant 0 : i32
      %dma_wait3A_127 = tpu.memref_slice %arg2[%dma_wait3A_125, %dma_wait3A_126] : memref<20480x64xf32, #tpu.memory_space<hbm>> -> memref<20480x64xf32, #tpu.memory_space<hbm>>
      tpu.wait_indirect_dma semaphore(%arg14 : memref<!tpu.dma_semaphore, #tpu.memory_space<semaphore_mem>>) src(%dma_wait3A_127 : memref<20480x64xf32, #tpu.memory_space<hbm>>) dst(%arg10 : memref<80x64xf32, #tpu.memory_space<vmem>>)
      %add3A_128 = arith.constant 1 : i32
      %add3A_129 = arith.addi %mul3A_99, %add3A_128 : i32
      "tpu.region"() ({
        %run_scoped3A_140 = tpu.sem_alloc : memref<!tpu.dma_semaphore, #tpu.memory_space<semaphore_mem>>
        %dma_start3A_141 = arith.constant 0 : i32
        %dma_start3A_142 = tpu.memref_slice %arg8[%add3A_129, %dma_start3A_141] : memref<250x80xi32, #tpu.memory_space<vmem>> -> memref<1x80xi32, #tpu.memory_space<vmem>>
        %dma_start3A_143 = tpu.memref_squeeze %dma_start3A_142 : memref<1x80xi32, #tpu.memory_space<vmem>> -> memref<80xi32, #tpu.memory_space<vmem>>
        %dma_start3A_144 = arith.constant 0 : i32
        %dma_start3A_145 = arith.constant 0 : i32
        %dma_start3A_146 = tpu.memref_slice %arg12[%dma_start3A_144, %dma_start3A_145] : memref<10240x64xf32, #tpu.memory_space<vmem_shared>> -> memref<10240x64xf32, #tpu.memory_space<vmem_shared>>
        tpu.enqueue_indirect_dma source(%arg10 : memref<80x64xf32, #tpu.memory_space<vmem>>) target(%dma_start3A_146 : memref<10240x64xf32, #tpu.memory_space<vmem_shared>>) offsets(%dma_start3A_143 : memref<80xi32, #tpu.memory_space<vmem>>) semaphore(%run_scoped3A_140 : memref<!tpu.dma_semaphore, #tpu.memory_space<semaphore_mem>>) {add = true}
        %dma_wait3A_147 = arith.constant 0 : i32
        %dma_wait3A_148 = tpu.memref_slice %arg8[%add3A_129, %dma_wait3A_147] : memref<250x80xi32, #tpu.memory_space<vmem>> -> memref<1x80xi32, #tpu.memory_space<vmem>>
        %dma_wait3A_149 = tpu.memref_squeeze %dma_wait3A_148 : memref<1x80xi32, #tpu.memory_space<vmem>> -> memref<80xi32, #tpu.memory_space<vmem>>
        %dma_wait3A_150 = arith.constant 0 : i32
        %dma_wait3A_151 = arith.constant 0 : i32
        %dma_wait3A_152 = tpu.memref_slice %arg12[%dma_wait3A_150, %dma_wait3A_151] : memref<10240x64xf32, #tpu.memory_space<vmem_shared>> -> memref<10240x64xf32, #tpu.memory_space<vmem_shared>>
        tpu.wait_indirect_dma semaphore(%run_scoped3A_140 : memref<!tpu.dma_semaphore, #tpu.memory_space<semaphore_mem>>) src(%arg10 : memref<80x64xf32, #tpu.memory_space<vmem>>) dst(%dma_wait3A_152 : memref<10240x64xf32, #tpu.memory_space<vmem_shared>>)
        tpu.yield
      }) : () -> ()
      %add3A_130 = arith.constant 2 : i32
      %add3A_131 = arith.addi %mul3A_99, %add3A_130 : i32
      %add3A_132 = arith.constant 1 : i32
      %add3A_133 = arith.addi %add3A_131, %add3A_132 : i32
      %dma_start3A_134 = arith.constant 0 : i32
      %dma_start3A_135 = tpu.memref_slice %arg7[%add3A_133, %dma_start3A_134] : memref<250x80xi32, #tpu.memory_space<vmem>> -> memref<1x80xi32, #tpu.memory_space<vmem>>
      %dma_start3A_136 = tpu.memref_squeeze %dma_start3A_135 : memref<1x80xi32, #tpu.memory_space<vmem>> -> memref<80xi32, #tpu.memory_space<vmem>>
      %dma_start3A_137 = arith.constant 0 : i32
      %dma_start3A_138 = arith.constant 0 : i32
      %dma_start3A_139 = tpu.memref_slice %arg2[%dma_start3A_137, %dma_start3A_138] : memref<20480x64xf32, #tpu.memory_space<hbm>> -> memref<20480x64xf32, #tpu.memory_space<hbm>>
      tpu.enqueue_indirect_dma source(%dma_start3A_139 : memref<20480x64xf32, #tpu.memory_space<hbm>>) target(%arg10 : memref<80x64xf32, #tpu.memory_space<vmem>>) offsets(%dma_start3A_136 : memref<80xi32, #tpu.memory_space<vmem>>) semaphore(%arg14 : memref<!tpu.dma_semaphore, #tpu.memory_space<semaphore_mem>>)
    }
    %scan3A_49 = arith.constant 124 : i32
    %dma_wait3A = arith.constant 248 : i32
    %dma_wait3A_50 = arith.constant 0 : i32
    %dma_wait3A_51 = tpu.memref_slice %arg7[%dma_wait3A, %dma_wait3A_50] : memref<250x80xi32, #tpu.memory_space<vmem>> -> memref<1x80xi32, #tpu.memory_space<vmem>>
    %dma_wait3A_52 = tpu.memref_squeeze %dma_wait3A_51 : memref<1x80xi32, #tpu.memory_space<vmem>> -> memref<80xi32, #tpu.memory_space<vmem>>
    %dma_wait3A_53 = arith.constant 0 : i32
    %dma_wait3A_54 = arith.constant 0 : i32
    %dma_wait3A_55 = tpu.memref_slice %arg2[%dma_wait3A_53, %dma_wait3A_54] : memref<20480x64xf32, #tpu.memory_space<hbm>> -> memref<20480x64xf32, #tpu.memory_space<hbm>>
    tpu.wait_indirect_dma semaphore(%arg13 : memref<!tpu.dma_semaphore, #tpu.memory_space<semaphore_mem>>) src(%dma_wait3A_55 : memref<20480x64xf32, #tpu.memory_space<hbm>>) dst(%arg9 : memref<80x64xf32, #tpu.memory_space<vmem>>)
    %run_scoped3A = arith.constant 248 : i32
    "tpu.region"() ({
      %run_scoped3A_97 = tpu.sem_alloc : memref<!tpu.dma_semaphore, #tpu.memory_space<semaphore_mem>>
      %dma_start3A_98 = arith.constant 0 : i32
      %dma_start3A_99 = tpu.memref_slice %arg8[%run_scoped3A, %dma_start3A_98] : memref<250x80xi32, #tpu.memory_space<vmem>> -> memref<1x80xi32, #tpu.memory_space<vmem>>
      %dma_start3A_100 = tpu.memref_squeeze %dma_start3A_99 : memref<1x80xi32, #tpu.memory_space<vmem>> -> memref<80xi32, #tpu.memory_space<vmem>>
      %dma_start3A_101 = arith.constant 0 : i32
      %dma_start3A_102 = arith.constant 0 : i32
      %dma_start3A_103 = tpu.memref_slice %arg12[%dma_start3A_101, %dma_start3A_102] : memref<10240x64xf32, #tpu.memory_space<vmem_shared>> -> memref<10240x64xf32, #tpu.memory_space<vmem_shared>>
      tpu.enqueue_indirect_dma source(%arg9 : memref<80x64xf32, #tpu.memory_space<vmem>>) target(%dma_start3A_103 : memref<10240x64xf32, #tpu.memory_space<vmem_shared>>) offsets(%dma_start3A_100 : memref<80xi32, #tpu.memory_space<vmem>>) semaphore(%run_scoped3A_97 : memref<!tpu.dma_semaphore, #tpu.memory_space<semaphore_mem>>) {add = true}
      %dma_wait3A_104 = arith.constant 0 : i32
      %dma_wait3A_105 = tpu.memref_slice %arg8[%run_scoped3A, %dma_wait3A_104] : memref<250x80xi32, #tpu.memory_space<vmem>> -> memref<1x80xi32, #tpu.memory_space<vmem>>
      %dma_wait3A_106 = tpu.memref_squeeze %dma_wait3A_105 : memref<1x80xi32, #tpu.memory_space<vmem>> -> memref<80xi32, #tpu.memory_space<vmem>>
      %dma_wait3A_107 = arith.constant 0 : i32
      %dma_wait3A_108 = arith.constant 0 : i32
      %dma_wait3A_109 = tpu.memref_slice %arg12[%dma_wait3A_107, %dma_wait3A_108] : memref<10240x64xf32, #tpu.memory_space<vmem_shared>> -> memref<10240x64xf32, #tpu.memory_space<vmem_shared>>
      tpu.wait_indirect_dma semaphore(%run_scoped3A_97 : memref<!tpu.dma_semaphore, #tpu.memory_space<semaphore_mem>>) src(%arg9 : memref<80x64xf32, #tpu.memory_space<vmem>>) dst(%dma_wait3A_109 : memref<10240x64xf32, #tpu.memory_space<vmem_shared>>)
      tpu.yield
    }) : () -> ()
    %dma_wait3A_56 = arith.constant 249 : i32
    %dma_wait3A_57 = arith.constant 0 : i32
    %dma_wait3A_58 = tpu.memref_slice %arg7[%dma_wait3A_56, %dma_wait3A_57] : memref<250x80xi32, #tpu.memory_space<vmem>> -> memref<1x80xi32, #tpu.memory_space<vmem>>
    %dma_wait3A_59 = tpu.memref_squeeze %dma_wait3A_58 : memref<1x80xi32, #tpu.memory_space<vmem>> -> memref<80xi32, #tpu.memory_space<vmem>>
    %dma_wait3A_60 = arith.constant 0 : i32
    %dma_wait3A_61 = arith.constant 0 : i32
    %dma_wait3A_62 = tpu.memref_slice %arg2[%dma_wait3A_60, %dma_wait3A_61] : memref<20480x64xf32, #tpu.memory_space<hbm>> -> memref<20480x64xf32, #tpu.memory_space<hbm>>
    tpu.wait_indirect_dma semaphore(%arg14 : memref<!tpu.dma_semaphore, #tpu.memory_space<semaphore_mem>>) src(%dma_wait3A_62 : memref<20480x64xf32, #tpu.memory_space<hbm>>) dst(%arg10 : memref<80x64xf32, #tpu.memory_space<vmem>>)
    %run_scoped3A_63 = arith.constant 249 : i32
    "tpu.region"() ({
      %run_scoped3A_97 = tpu.sem_alloc : memref<!tpu.dma_semaphore, #tpu.memory_space<semaphore_mem>>
      %dma_start3A_98 = arith.constant 0 : i32
      %dma_start3A_99 = tpu.memref_slice %arg8[%run_scoped3A_63, %dma_start3A_98] : memref<250x80xi32, #tpu.memory_space<vmem>> -> memref<1x80xi32, #tpu.memory_space<vmem>>
      %dma_start3A_100 = tpu.memref_squeeze %dma_start3A_99 : memref<1x80xi32, #tpu.memory_space<vmem>> -> memref<80xi32, #tpu.memory_space<vmem>>
      %dma_start3A_101 = arith.constant 0 : i32
      %dma_start3A_102 = arith.constant 0 : i32
      %dma_start3A_103 = tpu.memref_slice %arg12[%dma_start3A_101, %dma_start3A_102] : memref<10240x64xf32, #tpu.memory_space<vmem_shared>> -> memref<10240x64xf32, #tpu.memory_space<vmem_shared>>
      tpu.enqueue_indirect_dma source(%arg10 : memref<80x64xf32, #tpu.memory_space<vmem>>) target(%dma_start3A_103 : memref<10240x64xf32, #tpu.memory_space<vmem_shared>>) offsets(%dma_start3A_100 : memref<80xi32, #tpu.memory_space<vmem>>) semaphore(%run_scoped3A_97 : memref<!tpu.dma_semaphore, #tpu.memory_space<semaphore_mem>>) {add = true}
      %dma_wait3A_104 = arith.constant 0 : i32
      %dma_wait3A_105 = tpu.memref_slice %arg8[%run_scoped3A_63, %dma_wait3A_104] : memref<250x80xi32, #tpu.memory_space<vmem>> -> memref<1x80xi32, #tpu.memory_space<vmem>>
      %dma_wait3A_106 = tpu.memref_squeeze %dma_wait3A_105 : memref<1x80xi32, #tpu.memory_space<vmem>> -> memref<80xi32, #tpu.memory_space<vmem>>
      %dma_wait3A_107 = arith.constant 0 : i32
      %dma_wait3A_108 = arith.constant 0 : i32
      %dma_wait3A_109 = tpu.memref_slice %arg12[%dma_wait3A_107, %dma_wait3A_108] : memref<10240x64xf32, #tpu.memory_space<vmem_shared>> -> memref<10240x64xf32, #tpu.memory_space<vmem_shared>>
      tpu.wait_indirect_dma semaphore(%run_scoped3A_97 : memref<!tpu.dma_semaphore, #tpu.memory_space<semaphore_mem>>) src(%arg10 : memref<80x64xf32, #tpu.memory_space<vmem>>) dst(%dma_wait3A_109 : memref<10240x64xf32, #tpu.memory_space<vmem_shared>>)
      tpu.yield
    }) : () -> ()
    %barrier3A_64 = arith.constant 0 : index
    tpu.barrier barrier_id(%barrier3A_64)
    %mul3A_65 = arith.constant 640 : i32
    %mul3A_66 = arith.muli %arg1, %mul3A_65 : i32
    %add3A_67 = arith.constant 0 : i32
    %add3A_68 = arith.addi %mul3A_66, %add3A_67 : i32
    "tpu.region"() ({
      %run_scoped3A_97 = tpu.sem_alloc : memref<!tpu.dma_semaphore, #tpu.memory_space<semaphore_mem>>
      %dma_start3A_98 = arith.constant 0 : i32
      %dma_start3A_99 = tpu.memref_slice %arg12[%add3A_68, %dma_start3A_98] : memref<10240x64xf32, #tpu.memory_space<vmem_shared>> -> memref<80x64xf32, #tpu.memory_space<vmem_shared>>
      %dma_start3A_100 = arith.constant 0 : i32
      %dma_start3A_101 = tpu.memref_slice %arg12[%add3A_68, %dma_start3A_100] : memref<10240x64xf32, #tpu.memory_space<vmem_shared>> -> memref<80x64xf32, #tpu.memory_space<vmem_shared>>
      tpu.enqueue_dma source(%dma_start3A_101 : memref<80x64xf32, #tpu.memory_space<vmem_shared>>) target(%arg11 : memref<80x64xf32, #tpu.memory_space<vmem>>) target_semaphore(%run_scoped3A_97 : memref<!tpu.dma_semaphore, #tpu.memory_space<semaphore_mem>>)
      %dma_wait3A_102 = arith.constant 0 : i32
      %dma_wait3A_103 = tpu.memref_slice %arg12[%add3A_68, %dma_wait3A_102] : memref<10240x64xf32, #tpu.memory_space<vmem_shared>> -> memref<80x64xf32, #tpu.memory_space<vmem_shared>>
      %dma_wait3A_104 = arith.constant 0 : i32
      %dma_wait3A_105 = tpu.memref_slice %arg12[%add3A_68, %dma_wait3A_104] : memref<10240x64xf32, #tpu.memory_space<vmem_shared>> -> memref<80x64xf32, #tpu.memory_space<vmem_shared>>
      tpu.wait_dma2 semaphore(%run_scoped3A_97 : memref<!tpu.dma_semaphore, #tpu.memory_space<semaphore_mem>>) src(%dma_wait3A_105 : memref<80x64xf32, #tpu.memory_space<vmem_shared>>) dst(%arg11 : memref<80x64xf32, #tpu.memory_space<vmem>>)
      tpu.yield
    }) : () -> ()
    "tpu.region"() ({
      %run_scoped3A_97 = tpu.sem_alloc : memref<!tpu.dma_semaphore, #tpu.memory_space<semaphore_mem>>
      %dma_start3A_98 = tpu.memref_slice %arg6[%add3A_68, %mul3A_0] : memref<10240x128xf32, #tpu.memory_space<hbm>> -> memref<80x64xf32, #tpu.memory_space<hbm>>
      %dma_start3A_99 = tpu.memref_slice %arg6[%add3A_68, %mul3A_0] : memref<10240x128xf32, #tpu.memory_space<hbm>> -> memref<80x64xf32, #tpu.memory_space<hbm>>
      tpu.enqueue_dma source(%arg11 : memref<80x64xf32, #tpu.memory_space<vmem>>) target(%dma_start3A_99 : memref<80x64xf32, #tpu.memory_space<hbm>>) target_semaphore(%run_scoped3A_97 : memref<!tpu.dma_semaphore, #tpu.memory_space<semaphore_mem>>)
      %dma_wait3A_100 = tpu.memref_slice %arg6[%add3A_68, %mul3A_0] : memref<10240x128xf32, #tpu.memory_space<hbm>> -> memref<80x64xf32, #tpu.memory_space<hbm>>
      %dma_wait3A_101 = tpu.memref_slice %arg6[%add3A_68, %mul3A_0] : memref<10240x128xf32, #tpu.memory_space<hbm>> -> memref<80x64xf32, #tpu.memory_space<hbm>>
      tpu.wait_dma2 semaphore(%run_scoped3A_97 : memref<!tpu.dma_semaphore, #tpu.memory_space<semaphore_mem>>) src(%arg11 : memref<80x64xf32, #tpu.memory_space<vmem>>) dst(%dma_wait3A_101 : memref<80x64xf32, #tpu.memory_space<hbm>>)
      tpu.yield
    }) : () -> ()
    %mul3A_69 = arith.constant 640 : i32
    %mul3A_70 = arith.muli %arg1, %mul3A_69 : i32
    %add3A_71 = arith.constant 80 : i32
    %add3A_72 = arith.addi %mul3A_70, %add3A_71 : i32
    "tpu.region"() ({
      %run_scoped3A_97 = tpu.sem_alloc : memref<!tpu.dma_semaphore, #tpu.memory_space<semaphore_mem>>
      %dma_start3A_98 = arith.constant 0 : i32
      %dma_start3A_99 = tpu.memref_slice %arg12[%add3A_72, %dma_start3A_98] : memref<10240x64xf32, #tpu.memory_space<vmem_shared>> -> memref<80x64xf32, #tpu.memory_space<vmem_shared>>
      %dma_start3A_100 = arith.constant 0 : i32
      %dma_start3A_101 = tpu.memref_slice %arg12[%add3A_72, %dma_start3A_100] : memref<10240x64xf32, #tpu.memory_space<vmem_shared>> -> memref<80x64xf32, #tpu.memory_space<vmem_shared>>
      tpu.enqueue_dma source(%dma_start3A_101 : memref<80x64xf32, #tpu.memory_space<vmem_shared>>) target(%arg11 : memref<80x64xf32, #tpu.memory_space<vmem>>) target_semaphore(%run_scoped3A_97 : memref<!tpu.dma_semaphore, #tpu.memory_space<semaphore_mem>>)
      %dma_wait3A_102 = arith.constant 0 : i32
      %dma_wait3A_103 = tpu.memref_slice %arg12[%add3A_72, %dma_wait3A_102] : memref<10240x64xf32, #tpu.memory_space<vmem_shared>> -> memref<80x64xf32, #tpu.memory_space<vmem_shared>>
      %dma_wait3A_104 = arith.constant 0 : i32
      %dma_wait3A_105 = tpu.memref_slice %arg12[%add3A_72, %dma_wait3A_104] : memref<10240x64xf32, #tpu.memory_space<vmem_shared>> -> memref<80x64xf32, #tpu.memory_space<vmem_shared>>
      tpu.wait_dma2 semaphore(%run_scoped3A_97 : memref<!tpu.dma_semaphore, #tpu.memory_space<semaphore_mem>>) src(%dma_wait3A_105 : memref<80x64xf32, #tpu.memory_space<vmem_shared>>) dst(%arg11 : memref<80x64xf32, #tpu.memory_space<vmem>>)
      tpu.yield
    }) : () -> ()
    "tpu.region"() ({
      %run_scoped3A_97 = tpu.sem_alloc : memref<!tpu.dma_semaphore, #tpu.memory_space<semaphore_mem>>
      %dma_start3A_98 = tpu.memref_slice %arg6[%add3A_72, %mul3A_0] : memref<10240x128xf32, #tpu.memory_space<hbm>> -> memref<80x64xf32, #tpu.memory_space<hbm>>
      %dma_start3A_99 = tpu.memref_slice %arg6[%add3A_72, %mul3A_0] : memref<10240x128xf32, #tpu.memory_space<hbm>> -> memref<80x64xf32, #tpu.memory_space<hbm>>
      tpu.enqueue_dma source(%arg11 : memref<80x64xf32, #tpu.memory_space<vmem>>) target(%dma_start3A_99 : memref<80x64xf32, #tpu.memory_space<hbm>>) target_semaphore(%run_scoped3A_97 : memref<!tpu.dma_semaphore, #tpu.memory_space<semaphore_mem>>)
      %dma_wait3A_100 = tpu.memref_slice %arg6[%add3A_72, %mul3A_0] : memref<10240x128xf32, #tpu.memory_space<hbm>> -> memref<80x64xf32, #tpu.memory_space<hbm>>
      %dma_wait3A_101 = tpu.memref_slice %arg6[%add3A_72, %mul3A_0] : memref<10240x128xf32, #tpu.memory_space<hbm>> -> memref<80x64xf32, #tpu.memory_space<hbm>>
      tpu.wait_dma2 semaphore(%run_scoped3A_97 : memref<!tpu.dma_semaphore, #tpu.memory_space<semaphore_mem>>) src(%arg11 : memref<80x64xf32, #tpu.memory_space<vmem>>) dst(%dma_wait3A_101 : memref<80x64xf32, #tpu.memory_space<hbm>>)
      tpu.yield
    }) : () -> ()
    %mul3A_73 = arith.constant 640 : i32
    %mul3A_74 = arith.muli %arg1, %mul3A_73 : i32
    %add3A_75 = arith.constant 160 : i32
    %add3A_76 = arith.addi %mul3A_74, %add3A_75 : i32
    "tpu.region"() ({
      %run_scoped3A_97 = tpu.sem_alloc : memref<!tpu.dma_semaphore, #tpu.memory_space<semaphore_mem>>
      %dma_start3A_98 = arith.constant 0 : i32
      %dma_start3A_99 = tpu.memref_slice %arg12[%add3A_76, %dma_start3A_98] : memref<10240x64xf32, #tpu.memory_space<vmem_shared>> -> memref<80x64xf32, #tpu.memory_space<vmem_shared>>
      %dma_start3A_100 = arith.constant 0 : i32
      %dma_start3A_101 = tpu.memref_slice %arg12[%add3A_76, %dma_start3A_100] : memref<10240x64xf32, #tpu.memory_space<vmem_shared>> -> memref<80x64xf32, #tpu.memory_space<vmem_shared>>
      tpu.enqueue_dma source(%dma_start3A_101 : memref<80x64xf32, #tpu.memory_space<vmem_shared>>) target(%arg11 : memref<80x64xf32, #tpu.memory_space<vmem>>) target_semaphore(%run_scoped3A_97 : memref<!tpu.dma_semaphore, #tpu.memory_space<semaphore_mem>>)
      %dma_wait3A_102 = arith.constant 0 : i32
      %dma_wait3A_103 = tpu.memref_slice %arg12[%add3A_76, %dma_wait3A_102] : memref<10240x64xf32, #tpu.memory_space<vmem_shared>> -> memref<80x64xf32, #tpu.memory_space<vmem_shared>>
      %dma_wait3A_104 = arith.constant 0 : i32
      %dma_wait3A_105 = tpu.memref_slice %arg12[%add3A_76, %dma_wait3A_104] : memref<10240x64xf32, #tpu.memory_space<vmem_shared>> -> memref<80x64xf32, #tpu.memory_space<vmem_shared>>
      tpu.wait_dma2 semaphore(%run_scoped3A_97 : memref<!tpu.dma_semaphore, #tpu.memory_space<semaphore_mem>>) src(%dma_wait3A_105 : memref<80x64xf32, #tpu.memory_space<vmem_shared>>) dst(%arg11 : memref<80x64xf32, #tpu.memory_space<vmem>>)
      tpu.yield
    }) : () -> ()
    "tpu.region"() ({
      %run_scoped3A_97 = tpu.sem_alloc : memref<!tpu.dma_semaphore, #tpu.memory_space<semaphore_mem>>
      %dma_start3A_98 = tpu.memref_slice %arg6[%add3A_76, %mul3A_0] : memref<10240x128xf32, #tpu.memory_space<hbm>> -> memref<80x64xf32, #tpu.memory_space<hbm>>
      %dma_start3A_99 = tpu.memref_slice %arg6[%add3A_76, %mul3A_0] : memref<10240x128xf32, #tpu.memory_space<hbm>> -> memref<80x64xf32, #tpu.memory_space<hbm>>
      tpu.enqueue_dma source(%arg11 : memref<80x64xf32, #tpu.memory_space<vmem>>) target(%dma_start3A_99 : memref<80x64xf32, #tpu.memory_space<hbm>>) target_semaphore(%run_scoped3A_97 : memref<!tpu.dma_semaphore, #tpu.memory_space<semaphore_mem>>)
      %dma_wait3A_100 = tpu.memref_slice %arg6[%add3A_76, %mul3A_0] : memref<10240x128xf32, #tpu.memory_space<hbm>> -> memref<80x64xf32, #tpu.memory_space<hbm>>
      %dma_wait3A_101 = tpu.memref_slice %arg6[%add3A_76, %mul3A_0] : memref<10240x128xf32, #tpu.memory_space<hbm>> -> memref<80x64xf32, #tpu.memory_space<hbm>>
      tpu.wait_dma2 semaphore(%run_scoped3A_97 : memref<!tpu.dma_semaphore, #tpu.memory_space<semaphore_mem>>) src(%arg11 : memref<80x64xf32, #tpu.memory_space<vmem>>) dst(%dma_wait3A_101 : memref<80x64xf32, #tpu.memory_space<hbm>>)
      tpu.yield
    }) : () -> ()
    %mul3A_77 = arith.constant 640 : i32
    %mul3A_78 = arith.muli %arg1, %mul3A_77 : i32
    %add3A_79 = arith.constant 240 : i32
    %add3A_80 = arith.addi %mul3A_78, %add3A_79 : i32
    "tpu.region"() ({
      %run_scoped3A_97 = tpu.sem_alloc : memref<!tpu.dma_semaphore, #tpu.memory_space<semaphore_mem>>
      %dma_start3A_98 = arith.constant 0 : i32
      %dma_start3A_99 = tpu.memref_slice %arg12[%add3A_80, %dma_start3A_98] : memref<10240x64xf32, #tpu.memory_space<vmem_shared>> -> memref<80x64xf32, #tpu.memory_space<vmem_shared>>
      %dma_start3A_100 = arith.constant 0 : i32
      %dma_start3A_101 = tpu.memref_slice %arg12[%add3A_80, %dma_start3A_100] : memref<10240x64xf32, #tpu.memory_space<vmem_shared>> -> memref<80x64xf32, #tpu.memory_space<vmem_shared>>
      tpu.enqueue_dma source(%dma_start3A_101 : memref<80x64xf32, #tpu.memory_space<vmem_shared>>) target(%arg11 : memref<80x64xf32, #tpu.memory_space<vmem>>) target_semaphore(%run_scoped3A_97 : memref<!tpu.dma_semaphore, #tpu.memory_space<semaphore_mem>>)
      %dma_wait3A_102 = arith.constant 0 : i32
      %dma_wait3A_103 = tpu.memref_slice %arg12[%add3A_80, %dma_wait3A_102] : memref<10240x64xf32, #tpu.memory_space<vmem_shared>> -> memref<80x64xf32, #tpu.memory_space<vmem_shared>>
      %dma_wait3A_104 = arith.constant 0 : i32
      %dma_wait3A_105 = tpu.memref_slice %arg12[%add3A_80, %dma_wait3A_104] : memref<10240x64xf32, #tpu.memory_space<vmem_shared>> -> memref<80x64xf32, #tpu.memory_space<vmem_shared>>
      tpu.wait_dma2 semaphore(%run_scoped3A_97 : memref<!tpu.dma_semaphore, #tpu.memory_space<semaphore_mem>>) src(%dma_wait3A_105 : memref<80x64xf32, #tpu.memory_space<vmem_shared>>) dst(%arg11 : memref<80x64xf32, #tpu.memory_space<vmem>>)
      tpu.yield
    }) : () -> ()
    "tpu.region"() ({
      %run_scoped3A_97 = tpu.sem_alloc : memref<!tpu.dma_semaphore, #tpu.memory_space<semaphore_mem>>
      %dma_start3A_98 = tpu.memref_slice %arg6[%add3A_80, %mul3A_0] : memref<10240x128xf32, #tpu.memory_space<hbm>> -> memref<80x64xf32, #tpu.memory_space<hbm>>
      %dma_start3A_99 = tpu.memref_slice %arg6[%add3A_80, %mul3A_0] : memref<10240x128xf32, #tpu.memory_space<hbm>> -> memref<80x64xf32, #tpu.memory_space<hbm>>
      tpu.enqueue_dma source(%arg11 : memref<80x64xf32, #tpu.memory_space<vmem>>) target(%dma_start3A_99 : memref<80x64xf32, #tpu.memory_space<hbm>>) target_semaphore(%run_scoped3A_97 : memref<!tpu.dma_semaphore, #tpu.memory_space<semaphore_mem>>)
      %dma_wait3A_100 = tpu.memref_slice %arg6[%add3A_80, %mul3A_0] : memref<10240x128xf32, #tpu.memory_space<hbm>> -> memref<80x64xf32, #tpu.memory_space<hbm>>
      %dma_wait3A_101 = tpu.memref_slice %arg6[%add3A_80, %mul3A_0] : memref<10240x128xf32, #tpu.memory_space<hbm>> -> memref<80x64xf32, #tpu.memory_space<hbm>>
      tpu.wait_dma2 semaphore(%run_scoped3A_97 : memref<!tpu.dma_semaphore, #tpu.memory_space<semaphore_mem>>) src(%arg11 : memref<80x64xf32, #tpu.memory_space<vmem>>) dst(%dma_wait3A_101 : memref<80x64xf32, #tpu.memory_space<hbm>>)
      tpu.yield
    }) : () -> ()
    %mul3A_81 = arith.constant 640 : i32
    %mul3A_82 = arith.muli %arg1, %mul3A_81 : i32
    %add3A_83 = arith.constant 320 : i32
    %add3A_84 = arith.addi %mul3A_82, %add3A_83 : i32
    "tpu.region"() ({
      %run_scoped3A_97 = tpu.sem_alloc : memref<!tpu.dma_semaphore, #tpu.memory_space<semaphore_mem>>
      %dma_start3A_98 = arith.constant 0 : i32
      %dma_start3A_99 = tpu.memref_slice %arg12[%add3A_84, %dma_start3A_98] : memref<10240x64xf32, #tpu.memory_space<vmem_shared>> -> memref<80x64xf32, #tpu.memory_space<vmem_shared>>
      %dma_start3A_100 = arith.constant 0 : i32
      %dma_start3A_101 = tpu.memref_slice %arg12[%add3A_84, %dma_start3A_100] : memref<10240x64xf32, #tpu.memory_space<vmem_shared>> -> memref<80x64xf32, #tpu.memory_space<vmem_shared>>
      tpu.enqueue_dma source(%dma_start3A_101 : memref<80x64xf32, #tpu.memory_space<vmem_shared>>) target(%arg11 : memref<80x64xf32, #tpu.memory_space<vmem>>) target_semaphore(%run_scoped3A_97 : memref<!tpu.dma_semaphore, #tpu.memory_space<semaphore_mem>>)
      %dma_wait3A_102 = arith.constant 0 : i32
      %dma_wait3A_103 = tpu.memref_slice %arg12[%add3A_84, %dma_wait3A_102] : memref<10240x64xf32, #tpu.memory_space<vmem_shared>> -> memref<80x64xf32, #tpu.memory_space<vmem_shared>>
      %dma_wait3A_104 = arith.constant 0 : i32
      %dma_wait3A_105 = tpu.memref_slice %arg12[%add3A_84, %dma_wait3A_104] : memref<10240x64xf32, #tpu.memory_space<vmem_shared>> -> memref<80x64xf32, #tpu.memory_space<vmem_shared>>
      tpu.wait_dma2 semaphore(%run_scoped3A_97 : memref<!tpu.dma_semaphore, #tpu.memory_space<semaphore_mem>>) src(%dma_wait3A_105 : memref<80x64xf32, #tpu.memory_space<vmem_shared>>) dst(%arg11 : memref<80x64xf32, #tpu.memory_space<vmem>>)
      tpu.yield
    }) : () -> ()
    "tpu.region"() ({
      %run_scoped3A_97 = tpu.sem_alloc : memref<!tpu.dma_semaphore, #tpu.memory_space<semaphore_mem>>
      %dma_start3A_98 = tpu.memref_slice %arg6[%add3A_84, %mul3A_0] : memref<10240x128xf32, #tpu.memory_space<hbm>> -> memref<80x64xf32, #tpu.memory_space<hbm>>
      %dma_start3A_99 = tpu.memref_slice %arg6[%add3A_84, %mul3A_0] : memref<10240x128xf32, #tpu.memory_space<hbm>> -> memref<80x64xf32, #tpu.memory_space<hbm>>
      tpu.enqueue_dma source(%arg11 : memref<80x64xf32, #tpu.memory_space<vmem>>) target(%dma_start3A_99 : memref<80x64xf32, #tpu.memory_space<hbm>>) target_semaphore(%run_scoped3A_97 : memref<!tpu.dma_semaphore, #tpu.memory_space<semaphore_mem>>)
      %dma_wait3A_100 = tpu.memref_slice %arg6[%add3A_84, %mul3A_0] : memref<10240x128xf32, #tpu.memory_space<hbm>> -> memref<80x64xf32, #tpu.memory_space<hbm>>
      %dma_wait3A_101 = tpu.memref_slice %arg6[%add3A_84, %mul3A_0] : memref<10240x128xf32, #tpu.memory_space<hbm>> -> memref<80x64xf32, #tpu.memory_space<hbm>>
      tpu.wait_dma2 semaphore(%run_scoped3A_97 : memref<!tpu.dma_semaphore, #tpu.memory_space<semaphore_mem>>) src(%arg11 : memref<80x64xf32, #tpu.memory_space<vmem>>) dst(%dma_wait3A_101 : memref<80x64xf32, #tpu.memory_space<hbm>>)
      tpu.yield
    }) : () -> ()
    %mul3A_85 = arith.constant 640 : i32
    %mul3A_86 = arith.muli %arg1, %mul3A_85 : i32
    %add3A_87 = arith.constant 400 : i32
    %add3A_88 = arith.addi %mul3A_86, %add3A_87 : i32
    "tpu.region"() ({
      %run_scoped3A_97 = tpu.sem_alloc : memref<!tpu.dma_semaphore, #tpu.memory_space<semaphore_mem>>
      %dma_start3A_98 = arith.constant 0 : i32
      %dma_start3A_99 = tpu.memref_slice %arg12[%add3A_88, %dma_start3A_98] : memref<10240x64xf32, #tpu.memory_space<vmem_shared>> -> memref<80x64xf32, #tpu.memory_space<vmem_shared>>
      %dma_start3A_100 = arith.constant 0 : i32
      %dma_start3A_101 = tpu.memref_slice %arg12[%add3A_88, %dma_start3A_100] : memref<10240x64xf32, #tpu.memory_space<vmem_shared>> -> memref<80x64xf32, #tpu.memory_space<vmem_shared>>
      tpu.enqueue_dma source(%dma_start3A_101 : memref<80x64xf32, #tpu.memory_space<vmem_shared>>) target(%arg11 : memref<80x64xf32, #tpu.memory_space<vmem>>) target_semaphore(%run_scoped3A_97 : memref<!tpu.dma_semaphore, #tpu.memory_space<semaphore_mem>>)
      %dma_wait3A_102 = arith.constant 0 : i32
      %dma_wait3A_103 = tpu.memref_slice %arg12[%add3A_88, %dma_wait3A_102] : memref<10240x64xf32, #tpu.memory_space<vmem_shared>> -> memref<80x64xf32, #tpu.memory_space<vmem_shared>>
      %dma_wait3A_104 = arith.constant 0 : i32
      %dma_wait3A_105 = tpu.memref_slice %arg12[%add3A_88, %dma_wait3A_104] : memref<10240x64xf32, #tpu.memory_space<vmem_shared>> -> memref<80x64xf32, #tpu.memory_space<vmem_shared>>
      tpu.wait_dma2 semaphore(%run_scoped3A_97 : memref<!tpu.dma_semaphore, #tpu.memory_space<semaphore_mem>>) src(%dma_wait3A_105 : memref<80x64xf32, #tpu.memory_space<vmem_shared>>) dst(%arg11 : memref<80x64xf32, #tpu.memory_space<vmem>>)
      tpu.yield
    }) : () -> ()
    "tpu.region"() ({
      %run_scoped3A_97 = tpu.sem_alloc : memref<!tpu.dma_semaphore, #tpu.memory_space<semaphore_mem>>
      %dma_start3A_98 = tpu.memref_slice %arg6[%add3A_88, %mul3A_0] : memref<10240x128xf32, #tpu.memory_space<hbm>> -> memref<80x64xf32, #tpu.memory_space<hbm>>
      %dma_start3A_99 = tpu.memref_slice %arg6[%add3A_88, %mul3A_0] : memref<10240x128xf32, #tpu.memory_space<hbm>> -> memref<80x64xf32, #tpu.memory_space<hbm>>
      tpu.enqueue_dma source(%arg11 : memref<80x64xf32, #tpu.memory_space<vmem>>) target(%dma_start3A_99 : memref<80x64xf32, #tpu.memory_space<hbm>>) target_semaphore(%run_scoped3A_97 : memref<!tpu.dma_semaphore, #tpu.memory_space<semaphore_mem>>)
      %dma_wait3A_100 = tpu.memref_slice %arg6[%add3A_88, %mul3A_0] : memref<10240x128xf32, #tpu.memory_space<hbm>> -> memref<80x64xf32, #tpu.memory_space<hbm>>
      %dma_wait3A_101 = tpu.memref_slice %arg6[%add3A_88, %mul3A_0] : memref<10240x128xf32, #tpu.memory_space<hbm>> -> memref<80x64xf32, #tpu.memory_space<hbm>>
      tpu.wait_dma2 semaphore(%run_scoped3A_97 : memref<!tpu.dma_semaphore, #tpu.memory_space<semaphore_mem>>) src(%arg11 : memref<80x64xf32, #tpu.memory_space<vmem>>) dst(%dma_wait3A_101 : memref<80x64xf32, #tpu.memory_space<hbm>>)
      tpu.yield
    }) : () -> ()
    %mul3A_89 = arith.constant 640 : i32
    %mul3A_90 = arith.muli %arg1, %mul3A_89 : i32
    %add3A_91 = arith.constant 480 : i32
    %add3A_92 = arith.addi %mul3A_90, %add3A_91 : i32
    "tpu.region"() ({
      %run_scoped3A_97 = tpu.sem_alloc : memref<!tpu.dma_semaphore, #tpu.memory_space<semaphore_mem>>
      %dma_start3A_98 = arith.constant 0 : i32
      %dma_start3A_99 = tpu.memref_slice %arg12[%add3A_92, %dma_start3A_98] : memref<10240x64xf32, #tpu.memory_space<vmem_shared>> -> memref<80x64xf32, #tpu.memory_space<vmem_shared>>
      %dma_start3A_100 = arith.constant 0 : i32
      %dma_start3A_101 = tpu.memref_slice %arg12[%add3A_92, %dma_start3A_100] : memref<10240x64xf32, #tpu.memory_space<vmem_shared>> -> memref<80x64xf32, #tpu.memory_space<vmem_shared>>
      tpu.enqueue_dma source(%dma_start3A_101 : memref<80x64xf32, #tpu.memory_space<vmem_shared>>) target(%arg11 : memref<80x64xf32, #tpu.memory_space<vmem>>) target_semaphore(%run_scoped3A_97 : memref<!tpu.dma_semaphore, #tpu.memory_space<semaphore_mem>>)
      %dma_wait3A_102 = arith.constant 0 : i32
      %dma_wait3A_103 = tpu.memref_slice %arg12[%add3A_92, %dma_wait3A_102] : memref<10240x64xf32, #tpu.memory_space<vmem_shared>> -> memref<80x64xf32, #tpu.memory_space<vmem_shared>>
      %dma_wait3A_104 = arith.constant 0 : i32
      %dma_wait3A_105 = tpu.memref_slice %arg12[%add3A_92, %dma_wait3A_104] : memref<10240x64xf32, #tpu.memory_space<vmem_shared>> -> memref<80x64xf32, #tpu.memory_space<vmem_shared>>
      tpu.wait_dma2 semaphore(%run_scoped3A_97 : memref<!tpu.dma_semaphore, #tpu.memory_space<semaphore_mem>>) src(%dma_wait3A_105 : memref<80x64xf32, #tpu.memory_space<vmem_shared>>) dst(%arg11 : memref<80x64xf32, #tpu.memory_space<vmem>>)
      tpu.yield
    }) : () -> ()
    "tpu.region"() ({
      %run_scoped3A_97 = tpu.sem_alloc : memref<!tpu.dma_semaphore, #tpu.memory_space<semaphore_mem>>
      %dma_start3A_98 = tpu.memref_slice %arg6[%add3A_92, %mul3A_0] : memref<10240x128xf32, #tpu.memory_space<hbm>> -> memref<80x64xf32, #tpu.memory_space<hbm>>
      %dma_start3A_99 = tpu.memref_slice %arg6[%add3A_92, %mul3A_0] : memref<10240x128xf32, #tpu.memory_space<hbm>> -> memref<80x64xf32, #tpu.memory_space<hbm>>
      tpu.enqueue_dma source(%arg11 : memref<80x64xf32, #tpu.memory_space<vmem>>) target(%dma_start3A_99 : memref<80x64xf32, #tpu.memory_space<hbm>>) target_semaphore(%run_scoped3A_97 : memref<!tpu.dma_semaphore, #tpu.memory_space<semaphore_mem>>)
      %dma_wait3A_100 = tpu.memref_slice %arg6[%add3A_92, %mul3A_0] : memref<10240x128xf32, #tpu.memory_space<hbm>> -> memref<80x64xf32, #tpu.memory_space<hbm>>
      %dma_wait3A_101 = tpu.memref_slice %arg6[%add3A_92, %mul3A_0] : memref<10240x128xf32, #tpu.memory_space<hbm>> -> memref<80x64xf32, #tpu.memory_space<hbm>>
      tpu.wait_dma2 semaphore(%run_scoped3A_97 : memref<!tpu.dma_semaphore, #tpu.memory_space<semaphore_mem>>) src(%arg11 : memref<80x64xf32, #tpu.memory_space<vmem>>) dst(%dma_wait3A_101 : memref<80x64xf32, #tpu.memory_space<hbm>>)
      tpu.yield
    }) : () -> ()
    %mul3A_93 = arith.constant 640 : i32
    %mul3A_94 = arith.muli %arg1, %mul3A_93 : i32
    %add3A_95 = arith.constant 560 : i32
    %add3A_96 = arith.addi %mul3A_94, %add3A_95 : i32
    "tpu.region"() ({
      %run_scoped3A_97 = tpu.sem_alloc : memref<!tpu.dma_semaphore, #tpu.memory_space<semaphore_mem>>
      %dma_start3A_98 = arith.constant 0 : i32
      %dma_start3A_99 = tpu.memref_slice %arg12[%add3A_96, %dma_start3A_98] : memref<10240x64xf32, #tpu.memory_space<vmem_shared>> -> memref<80x64xf32, #tpu.memory_space<vmem_shared>>
      %dma_start3A_100 = arith.constant 0 : i32
      %dma_start3A_101 = tpu.memref_slice %arg12[%add3A_96, %dma_start3A_100] : memref<10240x64xf32, #tpu.memory_space<vmem_shared>> -> memref<80x64xf32, #tpu.memory_space<vmem_shared>>
      tpu.enqueue_dma source(%dma_start3A_101 : memref<80x64xf32, #tpu.memory_space<vmem_shared>>) target(%arg11 : memref<80x64xf32, #tpu.memory_space<vmem>>) target_semaphore(%run_scoped3A_97 : memref<!tpu.dma_semaphore, #tpu.memory_space<semaphore_mem>>)
      %dma_wait3A_102 = arith.constant 0 : i32
      %dma_wait3A_103 = tpu.memref_slice %arg12[%add3A_96, %dma_wait3A_102] : memref<10240x64xf32, #tpu.memory_space<vmem_shared>> -> memref<80x64xf32, #tpu.memory_space<vmem_shared>>
      %dma_wait3A_104 = arith.constant 0 : i32
      %dma_wait3A_105 = tpu.memref_slice %arg12[%add3A_96, %dma_wait3A_104] : memref<10240x64xf32, #tpu.memory_space<vmem_shared>> -> memref<80x64xf32, #tpu.memory_space<vmem_shared>>
      tpu.wait_dma2 semaphore(%run_scoped3A_97 : memref<!tpu.dma_semaphore, #tpu.memory_space<semaphore_mem>>) src(%dma_wait3A_105 : memref<80x64xf32, #tpu.memory_space<vmem_shared>>) dst(%arg11 : memref<80x64xf32, #tpu.memory_space<vmem>>)
      tpu.yield
    }) : () -> ()
    "tpu.region"() ({
      %run_scoped3A_97 = tpu.sem_alloc : memref<!tpu.dma_semaphore, #tpu.memory_space<semaphore_mem>>
      %dma_start3A_98 = tpu.memref_slice %arg6[%add3A_96, %mul3A_0] : memref<10240x128xf32, #tpu.memory_space<hbm>> -> memref<80x64xf32, #tpu.memory_space<hbm>>
      %dma_start3A_99 = tpu.memref_slice %arg6[%add3A_96, %mul3A_0] : memref<10240x128xf32, #tpu.memory_space<hbm>> -> memref<80x64xf32, #tpu.memory_space<hbm>>
      tpu.enqueue_dma source(%arg11 : memref<80x64xf32, #tpu.memory_space<vmem>>) target(%dma_start3A_99 : memref<80x64xf32, #tpu.memory_space<hbm>>) target_semaphore(%run_scoped3A_97 : memref<!tpu.dma_semaphore, #tpu.memory_space<semaphore_mem>>)
      %dma_wait3A_100 = tpu.memref_slice %arg6[%add3A_96, %mul3A_0] : memref<10240x128xf32, #tpu.memory_space<hbm>> -> memref<80x64xf32, #tpu.memory_space<hbm>>
      %dma_wait3A_101 = tpu.memref_slice %arg6[%add3A_96, %mul3A_0] : memref<10240x128xf32, #tpu.memory_space<hbm>> -> memref<80x64xf32, #tpu.memory_space<hbm>>
      tpu.wait_dma2 semaphore(%run_scoped3A_97 : memref<!tpu.dma_semaphore, #tpu.memory_space<semaphore_mem>>) src(%arg11 : memref<80x64xf32, #tpu.memory_space<vmem>>) dst(%dma_wait3A_101 : memref<80x64xf32, #tpu.memory_space<hbm>>)
      tpu.yield
    }) : () -> ()
    return
  }
}

module attributes {stable_mosaic.version = 14 : i64} {
  func.func @_mm_body(%arg0: i32, %arg1: i32, %arg2: memref<1024x128xf32, #tpu.memory_space<vmem>>, %arg3: memref<64x128xf32, #tpu.memory_space<vmem>>, %arg4: memref<1024x64xf32, #tpu.memory_space<vmem>>) attributes {dimension_semantics = [#tpu.dimension_semantics<arbitrary>, #tpu.dimension_semantics<arbitrary>], iteration_bounds = array<i64: 10, 2>, scalar_prefetch = 0 : i64, scratch_operands = 0 : i64, tpu.core_type = #tpu.core_type<tc>, window_params = [{transform_indices = @transform_0, window_bounds = array<i64: 1024, 128>}, {transform_indices = @transform_1, window_bounds = array<i64: 64, 128>}, {transform_indices = @transform_2, window_bounds = array<i64: 1024, 64>}]} {
    %get3A = arith.constant 0 : index
    %get3A_0 = arith.constant 0 : index
    %get3A_1 = vector.load %arg2[%get3A, %get3A_0] : memref<1024x128xf32, #tpu.memory_space<vmem>>, vector<1024x128xf32>
    %get3A_2 = arith.constant 0 : index
    %get3A_3 = arith.constant 0 : index
    %get3A_4 = vector.load %arg3[%get3A_2, %get3A_3] : memref<64x128xf32, #tpu.memory_space<vmem>>, vector<64x128xf32>
    %dot_general3A = arith.constant dense<0.000000e+00> : vector<1024x64xf32>
    %dot_general3A_5 = tpu.matmul %get3A_1, %get3A_4, %dot_general3A {dimension_numbers = #tpu.dot_dimension_numbers<[1], [1], [0], [0], [0, 0, 1, 0], [], []>, transpose_lhs_hint = false} : vector<1024x128xf32>, vector<64x128xf32>, vector<1024x64xf32> -> vector<1024x64xf32>
    %swap3A = arith.constant 0 : index
    %swap3A_6 = arith.constant 0 : index
    %swap3A_7 = vector.load %arg4[%swap3A, %swap3A_6] : memref<1024x64xf32, #tpu.memory_space<vmem>>, vector<1024x64xf32>
    tpu.vector_store %arg4[%swap3A, %swap3A_6], %dot_general3A_5 {strides = array<i32>} : memref<1024x64xf32, #tpu.memory_space<vmem>>, vector<1024x64xf32>,
    return
  }
  func.func @transform_0(%arg0: i32, %arg1: i32) -> (i32, i32) {
    %c0_i32 = arith.constant 0 : i32
    %c0_i32_0 = arith.constant 0 : i32
    return %arg0, %c0_i32 : i32, i32
  }
  func.func @transform_1(%arg0: i32, %arg1: i32) -> (i32, i32) {
    %c0_i32 = arith.constant 0 : i32
    %c0_i32_0 = arith.constant 0 : i32
    return %arg1, %c0_i32 : i32, i32
  }
  func.func @transform_2(%arg0: i32, %arg1: i32) -> (i32, i32) {
    %mul3A = arith.constant 10 : i32
    %mul3A_0 = arith.muli %arg1, %mul3A : i32
    %add3A = arith.addi %mul3A_0, %arg0 : i32
    %c0_i32 = arith.constant 0 : i32
    %c0_i32_1 = arith.constant 0 : i32
    return %add3A, %c0_i32 : i32, i32
  }
}

module attributes {stable_mosaic.version = 14 : i64} {
  func.func @_relu_mm_body(%arg0: i32, %arg1: i32, %arg2: memref<1024x128xf32, #tpu.memory_space<vmem>>, %arg3: memref<1x128xf32, #tpu.memory_space<vmem>>, %arg4: memref<64x128xf32, #tpu.memory_space<vmem>>, %arg5: memref<1024x64xf32, #tpu.memory_space<vmem>>) attributes {dimension_semantics = [#tpu.dimension_semantics<arbitrary>, #tpu.dimension_semantics<arbitrary>], iteration_bounds = array<i64: 10, 2>, scalar_prefetch = 0 : i64, scratch_operands = 0 : i64, tpu.core_type = #tpu.core_type<tc>, window_params = [{transform_indices = @transform_0, window_bounds = array<i64: 1024, 128>}, {pipeline_mode = #tpu.pipeline_mode<synchronous>, transform_indices = @transform_1, window_bounds = array<i64: 1, 128>}, {transform_indices = @transform_2, window_bounds = array<i64: 64, 128>}, {transform_indices = @transform_3, window_bounds = array<i64: 1024, 64>}]} {
    %get3A = arith.constant 0 : index
    %get3A_0 = arith.constant 0 : index
    %get3A_1 = vector.load %arg2[%get3A, %get3A_0] : memref<1024x128xf32, #tpu.memory_space<vmem>>, vector<1024x128xf32>
    %get3A_2 = arith.constant 0 : index
    %get3A_3 = arith.constant 0 : index
    %get3A_4 = vector.load %arg3[%get3A_2, %get3A_3] : memref<1x128xf32, #tpu.memory_space<vmem>>, vector<1x128xf32>
    %add3A = vector.broadcast %get3A_4 : vector<1x128xf32> to vector<1024x128xf32>
    %add3A_5 = arith.addf %get3A_1, %add3A : vector<1024x128xf32>
    %max3A = arith.constant 0.000000e+00 : f32
    %max3A_6 = vector.broadcast %max3A : f32 to vector<1024x128xf32>
    %max3A_7 = arith.maximumf %add3A_5, %max3A_6 : vector<1024x128xf32>
    %get3A_8 = arith.constant 0 : index
    %get3A_9 = arith.constant 0 : index
    %get3A_10 = vector.load %arg4[%get3A_8, %get3A_9] : memref<64x128xf32, #tpu.memory_space<vmem>>, vector<64x128xf32>
    %dot_general3A = arith.constant dense<0.000000e+00> : vector<1024x64xf32>
    %dot_general3A_11 = tpu.matmul %max3A_7, %get3A_10, %dot_general3A {dimension_numbers = #tpu.dot_dimension_numbers<[1], [1], [0], [0], [0, 0, 1, 0], [], []>, transpose_lhs_hint = false} : vector<1024x128xf32>, vector<64x128xf32>, vector<1024x64xf32> -> vector<1024x64xf32>
    %swap3A = arith.constant 0 : index
    %swap3A_12 = arith.constant 0 : index
    %swap3A_13 = vector.load %arg5[%swap3A, %swap3A_12] : memref<1024x64xf32, #tpu.memory_space<vmem>>, vector<1024x64xf32>
    tpu.vector_store %arg5[%swap3A, %swap3A_12], %dot_general3A_11 {strides = array<i32>} : memref<1024x64xf32, #tpu.memory_space<vmem>>, vector<1024x64xf32>,
    return
  }
  func.func @transform_0(%arg0: i32, %arg1: i32) -> (i32, i32) {
    %c0_i32 = arith.constant 0 : i32
    %c0_i32_0 = arith.constant 0 : i32
    return %arg0, %c0_i32 : i32, i32
  }
  func.func @transform_1(%arg0: i32, %arg1: i32) -> (i32, i32) {
    %c0_i32 = arith.constant 0 : i32
    %c0_i32_0 = arith.constant 0 : i32
    %c0_i32_1 = arith.constant 0 : i32
    return %c0_i32, %c0_i32_0 : i32, i32
  }
  func.func @transform_2(%arg0: i32, %arg1: i32) -> (i32, i32) {
    %c0_i32 = arith.constant 0 : i32
    %c0_i32_0 = arith.constant 0 : i32
    return %arg1, %c0_i32 : i32, i32
  }
  func.func @transform_3(%arg0: i32, %arg1: i32) -> (i32, i32) {
    %mul3A = arith.constant 10 : i32
    %mul3A_0 = arith.muli %arg1, %mul3A : i32
    %add3A = arith.addi %mul3A_0, %arg0 : i32
    %c0_i32 = arith.constant 0 : i32
    %c0_i32_1 = arith.constant 0 : i32
    return %add3A, %c0_i32 : i32, i32
  }
}

module attributes {stable_mosaic.version = 14 : i64} {
  func.func @_relu_body(%arg0: i32, %arg1: memref<2000x128xf32, #tpu.memory_space<vmem>>, %arg2: memref<1x128xf32, #tpu.memory_space<vmem>>, %arg3: memref<2000x128xf32, #tpu.memory_space<vmem>>) attributes {dimension_semantics = [#tpu.dimension_semantics<arbitrary>], iteration_bounds = array<i64: 5>, scalar_prefetch = 0 : i64, scratch_operands = 0 : i64, tpu.core_type = #tpu.core_type<tc>, window_params = [{transform_indices = @transform_0, window_bounds = array<i64: 2000, 128>}, {pipeline_mode = #tpu.pipeline_mode<synchronous>, transform_indices = @transform_1, window_bounds = array<i64: 1, 128>}, {transform_indices = @transform_2, window_bounds = array<i64: 2000, 128>}]} {
    %get3A = arith.constant 0 : index
    %get3A_0 = arith.constant 0 : index
    %get3A_1 = vector.load %arg1[%get3A, %get3A_0] : memref<2000x128xf32, #tpu.memory_space<vmem>>, vector<2000x128xf32>
    %get3A_2 = arith.constant 0 : index
    %get3A_3 = arith.constant 0 : index
    %get3A_4 = vector.load %arg2[%get3A_2, %get3A_3] : memref<1x128xf32, #tpu.memory_space<vmem>>, vector<1x128xf32>
    %add3A = vector.broadcast %get3A_4 : vector<1x128xf32> to vector<2000x128xf32>
    %add3A_5 = arith.addf %get3A_1, %add3A : vector<2000x128xf32>
    %max3A = arith.constant 0.000000e+00 : f32
    %max3A_6 = vector.broadcast %max3A : f32 to vector<2000x128xf32>
    %max3A_7 = arith.maximumf %add3A_5, %max3A_6 : vector<2000x128xf32>
    %swap3A = arith.constant 0 : index
    %swap3A_8 = arith.constant 0 : index
    %swap3A_9 = vector.load %arg3[%swap3A, %swap3A_8] : memref<2000x128xf32, #tpu.memory_space<vmem>>, vector<2000x128xf32>
    tpu.vector_store %arg3[%swap3A, %swap3A_8], %max3A_7 {strides = array<i32>} : memref<2000x128xf32, #tpu.memory_space<vmem>>, vector<2000x128xf32>,
    return
  }
  func.func @transform_0(%arg0: i32) -> (i32, i32) {
    %c0_i32 = arith.constant 0 : i32
    %c0_i32_0 = arith.constant 0 : i32
    return %arg0, %c0_i32 : i32, i32
  }
  func.func @transform_1(%arg0: i32) -> (i32, i32) {
    %c0_i32 = arith.constant 0 : i32
    %c0_i32_0 = arith.constant 0 : i32
    %c0_i32_1 = arith.constant 0 : i32
    return %c0_i32, %c0_i32_0 : i32, i32
  }
  func.func @transform_2(%arg0: i32) -> (i32, i32) {
    %c0_i32 = arith.constant 0 : i32
    %c0_i32_0 = arith.constant 0 : i32
    return %arg0, %c0_i32 : i32, i32
  }
}

</mosaic_0001>

<sc_bundles>
// kernel: kernel.10.cloned.1.call-start
scs
__scs_entry_jumppad:
0x0: {  	(pc) =	sbr.rel $0x88, $3  }
0x1: {  	(tag) =	ssettag $0x0;
	lr =	simm.s32 $0x1  }
0x2: {  	[smem:$0x3F9B] =	sst lr;
	_ =	strace $0xD0000000  }
0x3: {  	_ = 	snop  }
0x4: {  	_ = 	snop  }
0x5: {  	_ = 	snop  }
0x6: {  	_ = 	snop  }
0x7: {  	_ = 	snop  }
__scs_overlays_trampoline_lowered:
0x8: {  	[smem:$0x3FAA] =	sst s0  }
0x9: {  	[smem:$0x3FAB] =	sst s1  }
0xa: {  	[smem:$0x3FAC] =	sst s2  }
0xb: {  	[smem:$0x3FAD] =	sst s3  }
0xc: {  	[smem:$0x3FAE] =	sst s4  }
0xd: {  	[smem:$0x3FAF] =	sst s5  }
0xe: {  	[smem:$0x3FB0] =	sst s6  }
0xf: {  	[smem:$0x3FB1] =	sst s7  }
0x10: {  	[smem:$0x3FB2] =	sst s8  }
0x11: {  	[smem:$0x3FB3] =	sst s9;
	s0 =	simm.s32 @!p0 $0x0  }
0x12: {  	s1 =	sld [smem:$0x3F99];
	s0 =	simm.s32 @p0 $0x1  }
0x13: {  	[smem:$0x3FB4] =	sst s0;
	s0 =	simm.s32 @!p1 $0x0  }
0x14: {  	s2 =	sld [smem:$0x3F98];
	s0 =	simm.s32 @p1 $0x1  }
0x15: {  	[smem:$0x3FB5] =	sst s0;
	s0 =	simm.s32 @!p2 $0x0  }
0x16: {  	s3 =	sld [smem:$0x3FDB];
	s0 =	simm.s32 @p2 $0x1  }
0x17: {  	s4 =	simm.s32 $0x1BF5;
	[smem:$0x3FB7] =	sst s0  }
0x18: {  	s0 =	sld [smem:$0x3F9A];
	_ =	swait.ge [sflag:s4], $0x0  }
0x19: {  	s7 =	sld [smem:$0x3F9B]  }
0x1a: {  	s8 =	sadd.s32 $0xFFFFE003, lr  }
0x1b: {  	s9 =	sadd.s32 $0xFFFFFEF7, lr;
	s5 =	simm.s32 $0xFFFFFFFF;
	p2 =	slt.u32 s8, $0xFFFFF086  }
0x1c: {  	p1 =	slt.u32 s9, $0xF7A;
	s5 =	simm.s32 @!p2 $0x0  }
0x1d: {  	s5 =	simm.s32 @p1 $0x1;
	p0 =	seq.s32 s7, s2  }
0x1e: {  	s7 =	smul.u32 @!p0 $0xF7A, s2;
	p2 =	seq.s32 @!p0 s5, $0x0  }
0x1f: {  	s9 =	smul.u32 $0xF7A, s1;
	s8 =	simm.s32 @!p0 $0x1BF5;
	p2 =	por !p2, p0  }
0x20: {  	[sflag:s8] =	ssyncset.s32 @!p0 $0xFFFFF086;
	s6 =	sadd.s32 @!p0 s3, s7;
	s7 =	simm.s32 @!p0 $0x108  }
0x21: {  	s3 =	sadd.s32 s3, s9;
	s6 =	sadd.s32 @!p0 $0x88, s6;
	s7 =	simm.s32 @p2 $0x1082  }
0x22: {  	[simem:s7], [sflag:s8] =	dma.local @!p0 [hbm:s6], $0xF7A  }
0x23: {  	s9 =	sor.u32 $0xD0000000, s2;
	s6 =	simm.s32 $0x108;
	_ =	swait.ge @!p0 [sflag:s8], $0x0  }
0x24: {  	s3 =	sadd.s32 $0x88, s3;
	s6 =	simm.s32 @!p1 $0x1082;
	[sflag:s4] =	ssyncset.s32 $0xFFFFF086  }
0x25: {  	[simem:s6], [sflag:s4] =	dma.local [hbm:s3], $0xF7A  }
0x26: {  	[smem:$0x3F9B] =	sst s1;
	(tag) =	ssettag s2;
	_ =	strace s9  }
0x27: {  	s1 =	sld [smem:$0x3FAB]  }
0x28: {  	s2 =	sld [smem:$0x3FAC]  }
0x29: {  	s4 =	sld [smem:$0x3FAE]  }
0x2a: {  	p0 =	seq.s32 s5, $0x0;
	s5 =	sld [smem:$0x3FAF]  }
0x2b: {  	s6 =	sld [smem:$0x3FB0]  }
0x2c: {  	s7 =	sld [smem:$0x3FB1]  }
0x2d: {  	s3 =	simm.s32 $0x108;
	s8 =	sld [smem:$0x3FB2]  }
0x2e: {  	s3 =	simm.s32 @!p0 $0x1082;
	s9 =	sld [smem:$0x3FB3]  }
0x2f: {  	lr =	sadd.s32 s0, s3;
	s0 =	sld [smem:$0x3FAA]  }
0x30: {  	s3 =	sld [smem:$0x3FAD]  }
0x31: {  	[smem:$0x3FB6] =	sst s10  }
0x32: {  	s10 =	sld [smem:$0x3FB4];
	_ =	sdelay $0x3  }
0x33: {  	p0 =	seq.s32 s10, $0x1;
	s10 =	sld [smem:$0x3FB6];
	_ =	sdelay $0x3  }
0x34: {  	[smem:$0x3FB6] =	sst s10  }
0x35: {  	s10 =	sld [smem:$0x3FB5];
	_ =	sdelay $0x3  }
0x36: {  	p1 =	seq.s32 s10, $0x1;
	s10 =	sld [smem:$0x3FB6];
	_ =	sdelay $0x3  }
0x37: {  	[smem:$0x3FB6] =	sst s10  }
0x38: {  	s10 =	sld [smem:$0x3FB7]  }
0x39: {  	_ = 	snop;
	(pc) =	sbr.ind lr, $3  }
0x3a: {  	_ = 	snop  }
0x3b: {  	_ = 	snop  }
0x3c: {  	p2 =	seq.s32 s10, $0x1;
	s10 =	sld [smem:$0x3FB6]  }
0x3d: {  	_ =	shalt  }
0x3e: {  	_ =	shalt  }
0x3f: {  	_ =	shalt  }
0x40: {  	_ =	shalt  }
0x41: {  	_ =	shalt  }
0x42: {  	_ =	shalt  }
0x43: {  	_ =	shalt  }
0x44: {  	_ =	shalt  }
0x45: {  	_ =	shalt  }
0x46: {  	_ =	shalt  }
0x47: {  	_ =	shalt  }
0x48: {  	_ =	shalt  }
0x49: {  	_ =	shalt  }
0x4a: {  	_ =	shalt  }
0x4b: {  	_ =	shalt  }
0x4c: {  	_ =	shalt  }
0x4d: {  	_ =	shalt  }
0x4e: {  	_ =	shalt  }
0x4f: {  	_ =	shalt  }
0x50: {  	_ =	shalt  }
0x51: {  	_ =	shalt  }
0x52: {  	_ =	shalt  }
0x53: {  	_ =	shalt  }
0x54: {  	_ =	shalt  }
0x55: {  	_ =	shalt  }
0x56: {  	_ =	shalt  }
0x57: {  	_ =	shalt  }
0x58: {  	_ =	shalt  }
0x59: {  	_ =	shalt  }
0x5a: {  	_ =	shalt  }
0x5b: {  	_ =	shalt  }
0x5c: {  	_ =	shalt  }
0x5d: {  	_ =	shalt  }
0x5e: {  	_ =	shalt  }
0x5f: {  	_ =	shalt  }
0x60: {  	_ =	shalt  }
0x61: {  	_ =	shalt  }
0x62: {  	_ =	shalt  }
0x63: {  	_ =	shalt  }
0x64: {  	_ =	shalt  }
0x65: {  	_ =	shalt  }
0x66: {  	_ =	shalt  }
0x67: {  	_ =	shalt  }
0x68: {  	_ =	shalt  }
0x69: {  	_ =	shalt  }
0x6a: {  	_ =	shalt  }
0x6b: {  	_ =	shalt  }
0x6c: {  	_ =	shalt  }
0x6d: {  	_ =	shalt  }
0x6e: {  	_ =	shalt  }
0x6f: {  	_ =	shalt  }
0x70: {  	_ =	shalt  }
0x71: {  	_ =	shalt  }
0x72: {  	_ =	shalt  }
0x73: {  	_ =	shalt  }
0x74: {  	_ =	shalt  }
0x75: {  	_ =	shalt  }
0x76: {  	_ =	shalt  }
0x77: {  	_ =	shalt  }
0x78: {  	_ =	shalt  }
0x79: {  	_ =	shalt  }
0x7a: {  	_ =	shalt  }
0x7b: {  	_ =	shalt  }
0x7c: {  	_ =	shalt  }
0x7d: {  	_ =	shalt  }
0x7e: {  	_ =	shalt  }
0x7f: {  	_ =	shalt  }
0x80: {  	_ =	shalt  }
0x81: {  	_ =	shalt  }
0x82: {  	_ =	shalt  }
0x83: {  	_ =	shalt  }
0x84: {  	_ =	shalt  }
0x85: {  	_ =	shalt  }
0x86: {  	_ =	shalt  }
0x87: {  	_ =	shalt  }
.Lfunc_end0:
.L_simem_size_0:
called_computation.1_lowered:
.L_overlay_start_0:
0x88: {  	s2 =	sld [smem:$0x3FD9]  }
0x89: {  	s3 =	sld [smem:$0x3FFE];
	_ =	sdelay $0x1  }
0x8a: {  	s1 =	srdreg.scid  }
0x8b: {  	s0 =	sand.u32 $0x1, s1  }
0x8c: {  	s17 =	sshll.u32 s0, $0xA;
	s2 =	sadd.s32 s3, s2  }
0x8d: {  	s2 =	sadd.s32 s2, s17  }
0x8e: {  	[smem:$0x3FC2] =	sst s2  }
0x8f: {  	_ = 	snop  }
0x90: {  	s2 =	sld [smem:$0x3FD0];
	(tm) =	ssettm $0x1  }
0x91: {  	s18 =	sld [smem:$0x3FFB];
	_ =	sdelay $0x3  }
0x92: {  	_ =	strace s18  }
0x93: {  	s3 =	sld [smem:$0x3FFC];
	_ =	sdelay $0x3  }
0x94: {  	_ =	strace s3  }
0x95: {  	s3 =	sld [smem:$0x3FFD];
	_ =	sdelay $0x3  }
0x96: {  	_ =	strace s3  }
0x97: {  	_ =	strace $0x8FFFFFFF  }
0x98: {  	s19 =	sld [smem:$0x3FDB];
	_ =	sdelay $0x1  }
0x99: {  	s4 =	simm.s32 $_scs_section_size  }
0x9a: {  	s5 =	simm.s32 $_size__tile_overlayer_lowered;
	s6 =	simm.s32 $_tile_overlayer_lowered  }
0x9b: {  	s22 =	simm.s32 $0x1BFF;
	s21 =	sshll.u32 s6, $0x1;
	s3 =	sadd.s32 s4, s19  }
0x9c: {  	s7 =	simm.s32 $0x0;
	s20 =	sshll.u32 s5, $0x1;
	s5 =	sadd.s32 s21, s3  }
0x9d: {  	[timem:s7], [sflag:s22] =	dma.local [hbm:s5], s20  }
0x9e: {  	_ =	swait.ge [sflag:s22], s20  }
0x9f: {  	s4 =	ssub.s32 $0x0, s20;
	[sflag:s22] =	ssyncset.done $0x0  }
0xa0: {  	[sflag:s22] =	ssyncadd.s32 s4;
	_ =	sdelay $0x1  }
0xa1: {  	s23 =	simm.s32 $0x1B8B  }
0xa2: {  	_ =	swait.ge [sflag:s23], $0x1  }
0xa3: {  	[sflag:s23] =	ssyncset.done $0x0  }
0xa4: {  	s25 =	simm.s32 $0x1B8E;
	s24 =	sld [smem:$0x3FFE];
	[sflag:s23] =	ssyncadd.s32 $0xFFFFFFFF  }
0xa5: {  	s26 =	simm.s32 $execute0_lowered;
	[smem:$0x3FD2] =	sst s25  }
0xa6: {  	s5 =	sshll.u32 s26, $0x1;
	_ =	strace $0x80000049;
	[dreg:$0x1] =	wrdreg $0xFFFFFFFF  }
0xa7: {  	s28 =	simm.s32 $_size_execute0_lowered;
	s3 =	sadd.s32 s3, s5;
	[dreg:$0x0] =	wrdreg $0x0  }
0xa8: {  	s5 =	sshll.u32 s28, $0x1;
	[dreg:$0x2] =	wrdreg s3  }
0xa9: {  	[dreg:$0x3] =	wrdreg s5  }
0xaa: {  	[dreg:$0x4] =	wrdreg $0xC0  }
0xab: {  	_ =	task [dreg:s7], $0x5FFFF  }
0xac: {  	[dreg:$0x1] =	wrdreg $0xFFFFFFFF  }
0xad: {  	[dreg:$0x0] =	wrdreg $0x60  }
0xae: {  	[dreg:$0x2] =	wrdreg s24  }
0xaf: {  	[dreg:$0x3] =	wrdreg s2  }
0xb0: {  	[dreg:$0x4] =	wrdreg $0xD8400  }
0xb1: {  	[dreg:$0x5] =	wrdreg $0x9  }
0xb2: {  	_ =	task.clear_ibuf [dreg:s7], $0x6FFFF;
	_ =	strace $0x90000049  }
0xb3: {  	s29 =	simm.s32 $0x9;
	_ =	strace $0x8000004B  }
0xb4: {  	_ =	swait.ge [sflag:s29], $0x1  }
0xb5: {  	[sflag:s29] =	ssyncadd.s32 $0xFFFFFFFF  }
0xb6: {  	_ =	strace $0x9000004B  }
0xb7: {  	_ =	sfence  }
0xb8: {  	s30 =	sld [smem:$0x0];
	_ =	sdelay $0x2  }
0xb9: {  	s31 =	sshll.u32 s1, $0xD;
	s1 =	sshrl.u32 s1, $0x2  }
0xba: {  	s3 =	sand.u32 $0x4000, s31;
	s1 =	sadd.s32 s1, s30  }
0xbb: {  	s0 =	sor.u32 s3, s0;
	s1 =	sshll.u32 s1, $0x11  }
0xbc: {  	s0 =	sor.u32 s1, s0  }
0xbd: {  	s0 =	sadd.s32 $0x8F2B, s0  }
0xbe: {  	[sflag:s0] =	ssyncadd.remote.s32 $0x1  }
0xbf: {  	_ =	sfence.sel $0xFFFF  }
0xc0: {  	[dreg:$0x0] =	wrdreg $0xFFFFFFFF;
	(pc) =	sbr.abs _section_cstart, $3  }
0xc1: {  	[dreg:$0x1] =	wrdreg $0xFFFFFFFF  }
0xc2: {  	_ =	task.clear_ibuf [dreg:s7], $0x2FFFF;
	_ =	strace $0x9FFFFFFF  }
0xc3: {  	(tm) =	ssettm $0x7FFFFFFF  }
tec
execute0_lowered:
.L_overlay_start_1:
0x0: {  	(tag) =	ssettag $0x1  }
0x1: {  	s1 =	rddreg [dreg:$0x0]  }
0x2: {  	s5 =	rddreg [dreg:$0x1]  }
0x3: {  	s2 =	rddreg [dreg:$0x2];
	s3 =	simm.s32 $0x0  }
0x4: {  	s16 =	stileid.u32;
	s0 =	srdreg.scid;
	s28 =	simm.s32 $0xC440  }
0x5: {  	s29 =	simm.s32 $0x50;
	s30 =	simm.s32 $0x9C40;
	s6 =	smul.u32 $0x4E20, s16  }
0x6: {  	s31 =	simm.s32 $0xB040;
	[smem:$0x7FF] =	sst s3;
	s11 =	smul.u32 $0x280, s16  }
0x7: {  	s7 =	sand.u32 $0x1, s0;
	s4 =	sadd.s32 $0xB200, s1;
	s18 =	smul.u32 $0x14000, s16  }
0x8: {  	s26 =	sadd.s32 $0x33200, s1;
	_ =	strace $0x8000004A;
	s0 =	smul.u32 $0x4E200, s7  }
0x9: {  	s9 =	ssub.s32 $0x2, s7;
	s7 =	sshll.u32 s7, $0x6;
	[dreg:$0x5] =	wrdreg s26  }
0xa: {  	s8 =	sshrl.u32 s6, $0x3;
	s10 =	sshrl.u32 s9, $0x1;
	s12 =	sadd.s32 $0xF0, s11  }
0xb: {  	s13 =	sadd.s32 $0x140, s11;
	s14 =	sadd.s32 $0x190, s11;
	s15 =	sadd.s32 $0x1E0, s11  }
0xc: {  	s17 =	sor.u32 s7, s18;
	s6 =	sadd.s32 s6, s0;
	s8 =	sadd.s32 s8, s1  }
0xd: {  	s0 =	ssub.s32 s9, s10;
	s9 =	sadd.s32 $0xA0, s11;
	s21 =	sshll.u32 s12, $0x7  }
0xe: {  	s22 =	sshll.u32 s13, $0x7;
	s23 =	sshll.u32 s14, $0x7;
	s24 =	sshll.u32 s15, $0x7  }
0xf: {  	s1 =	sadd.s32 $0x33600, s1;
	s6 =	sshrl.u32 s6, $0x3;
	s20 =	sshll.u32 s9, $0x7  }
0x10: {  	s8 =	sadd.s32 $0x1400, s8;
	s10 =	sshll.u32 s9, $0x6;
	s5 =	sadd.s32 s5, s6  }
0x11: {  	s6 =	sor.u32 $0x50, s11;
	[dreg:$0x6] =	wrdreg s8;
	s10 =	sadd.s32 s10, s2  }
0x12: {  	[dreg:$0x4] =	wrdreg s5;
	s5 =	smul.u32 $0x28000, s16;
	s16 =	sadd.s32 $0x230, s11  }
0x13: {  	s19 =	sshll.u32 s6, $0x7;
	s6 =	sshll.u32 s6, $0x6;
	s11 =	sshll.u32 s12, $0x6  }
0x14: {  	s12 =	sshll.u32 s13, $0x6;
	s13 =	sshll.u32 s14, $0x6;
	s14 =	sshll.u32 s15, $0x6  }
0x15: {  	s18 =	sor.u32 s7, s19;
	s19 =	sor.u32 s7, s20;
	s20 =	sor.u32 s7, s21  }
0x16: {  	s21 =	sor.u32 s7, s22;
	s22 =	sor.u32 s7, s23;
	s25 =	sshll.u32 s16, $0x7  }
0x17: {  	s23 =	sor.u32 s7, s24;
	s9 =	sadd.s32 s6, s2;
	s11 =	sadd.s32 s11, s2  }
0x18: {  	s12 =	sadd.s32 s12, s2;
	s13 =	sadd.s32 s13, s2;
	s14 =	sadd.s32 s14, s2  }
0x19: {  	s15 =	sshll.u32 s16, $0x6;
	s16 =	sshrl.u32 s17, $0x3;
	s6 =	simm.s32 $0x0  }
0x1a: {  	s7 =	sor.u32 s7, s25;
	s5 =	sshrl.u32 s5, $0x2;
	s15 =	sadd.s32 s15, s2  }
0x1b: {  	s17 =	sadd.s32 s1, s16;
	s18 =	sshrl.u32 s18, $0x3;
	s19 =	sshrl.u32 s19, $0x3  }
0x1c: {  	s20 =	sshrl.u32 s20, $0x3;
	s21 =	sshrl.u32 s21, $0x3;
	s24 =	sshrl.u32 s22, $0x3  }
0x1d: {  	s25 =	sshrl.u32 s23, $0x3;
	s8 =	sadd.s32 s5, s2;
	[dreg:$0x7] =	wrdreg s17  }
0x1e: {  	s5 =	sadd.s32 s1, s18;
	s18 =	sadd.s32 s1, s19;
	s19 =	sadd.s32 s1, s20  }
0x1f: {  	s20 =	sadd.s32 s1, s21;
	s21 =	sadd.s32 s1, s24;
	s22 =	sadd.s32 s1, s25  }
0x20: {  	s26 =	sshrl.u32 s7, $0x3;
	s24 =	smax.u32 s0, $0x1;
	s25 =	simm.s32 $0x3  }
0x21: {  	s0 =	simm.s32 $0x1;
	[dreg:$0x8] =	wrdreg s5;
	s23 =	sadd.s32 s1, s26  }
0x22: {  	s1 =	simm.s32 $0x2;
	s26 =	simm.s32 $0x40;
	s5 =	simm.s32 $0x80  }
.LBB2_1:
0x23: {  	s7 =	rddreg [dreg:$0x4]  }
0x24: {  	[tilespmem:s3], [sflag:$0x3] =	stream.linear.gather [hbm4b:s7+s3], $0x4E20, $0x38;
	[tilespmem:$0x17840] =	vst v63  }
0x25: {  	_ =	swait.ge [sflag:s25], $0x4E20  }
0x26: {  	[sflag:s25] =	ssyncset.done $0x0  }
0x27: {  	s16 =	simm.s32 $0x4E20;
	s17 =	rddreg [dreg:$0x6];
	[sflag:s25] =	ssyncadd.s32 $0xFFFFB1E0  }
0x28: {  	[tilespmem:s16], [sflag:$0x3] =	stream.linear.gather [hbm4b:s17+s3], $0x4E20, $0x38;
	[tilespmem:$0x17840] =	vst v63  }
0x29: {  	_ =	swait.ge [sflag:s25], $0x4E20  }
0x2a: {  	[sflag:s25] =	ssyncset.done $0x0  }
0x2b: {  	s16 =	rddreg [dreg:$0x5];
	[sflag:s25] =	ssyncadd.s32 $0xFFFFB1E0  }
0x2c: {  	[tilespmem:s28], [sflag:$0x3] =	stream.linear.gather [hbm4b:s16+s3], $0x1400, $0x38;
	[tilespmem:$0x17840] =	vst v63  }
0x2d: {  	_ =	swait.ge [sflag:s25], $0x1400  }
0x2e: {  	[sflag:s25] =	ssyncset.done $0x0  }
0x2f: {  	[sflag:s25] =	ssyncadd.s32 $0xFFFFEC00  }
0x30: {  	[spmem:s8] =	stream.linear.scatter [tilespmem:s28], [sflag:$0x3], $0x1400, $0x38;
	[tilespmem:$0x17840] =	vst v63  }
0x31: {  	_ =	swait.ge [sflag:s25], $0x1400  }
0x32: {  	[sflag:s25] =	ssyncset.done $0x0  }
0x33: {  	[sflag:s25] =	ssyncadd.s32 $0xFFFFEC00  }
0x34: {  	[spmem:s9] =	stream.linear.scatter [tilespmem:s28], [sflag:$0x3], $0x1400, $0x38;
	[tilespmem:$0x17840] =	vst v63  }
0x35: {  	_ =	swait.ge [sflag:s25], $0x1400  }
0x36: {  	[sflag:s25] =	ssyncset.done $0x0  }
0x37: {  	[sflag:s25] =	ssyncadd.s32 $0xFFFFEC00  }
0x38: {  	[spmem:s10] =	stream.linear.scatter [tilespmem:s28], [sflag:$0x3], $0x1400, $0x38;
	[tilespmem:$0x17840] =	vst v63  }
0x39: {  	_ =	swait.ge [sflag:s25], $0x1400  }
0x3a: {  	[sflag:s25] =	ssyncset.done $0x0  }
0x3b: {  	[sflag:s25] =	ssyncadd.s32 $0xFFFFEC00  }
0x3c: {  	[spmem:s11] =	stream.linear.scatter [tilespmem:s28], [sflag:$0x3], $0x1400, $0x38;
	[tilespmem:$0x17840] =	vst v63  }
0x3d: {  	_ =	swait.ge [sflag:s25], $0x1400  }
0x3e: {  	[sflag:s25] =	ssyncset.done $0x0  }
0x3f: {  	[sflag:s25] =	ssyncadd.s32 $0xFFFFEC00  }
0x40: {  	[spmem:s12] =	stream.linear.scatter [tilespmem:s28], [sflag:$0x3], $0x1400, $0x38;
	[tilespmem:$0x17840] =	vst v63  }
0x41: {  	_ =	swait.ge [sflag:s25], $0x1400  }
0x42: {  	[sflag:s25] =	ssyncset.done $0x0  }
0x43: {  	[sflag:s25] =	ssyncadd.s32 $0xFFFFEC00  }
0x44: {  	[spmem:s13] =	stream.linear.scatter [tilespmem:s28], [sflag:$0x3], $0x1400, $0x38;
	[tilespmem:$0x17840] =	vst v63  }
0x45: {  	_ =	swait.ge [sflag:s25], $0x1400  }
0x46: {  	[sflag:s25] =	ssyncset.done $0x0  }
0x47: {  	[sflag:s25] =	ssyncadd.s32 $0xFFFFEC00  }
0x48: {  	[spmem:s14] =	stream.linear.scatter [tilespmem:s28], [sflag:$0x3], $0x1400, $0x38;
	[tilespmem:$0x17840] =	vst v63  }
0x49: {  	_ =	swait.ge [sflag:s25], $0x1400  }
0x4a: {  	[sflag:s25] =	ssyncset.done $0x0  }
0x4b: {  	[sflag:s25] =	ssyncadd.s32 $0xFFFFEC00  }
0x4c: {  	[spmem:s15] =	stream.linear.scatter [tilespmem:s28], [sflag:$0x3], $0x1400, $0x38;
	[tilespmem:$0x17840] =	vst v63  }
0x4d: {  	_ =	swait.ge [sflag:s25], $0x1400  }
0x4e: {  	[sflag:s25] =	ssyncset.done $0x0  }
0x4f: {  	[sflag:s25] =	ssyncadd.s32 $0xFFFFEC00  }
0x50: {  	[bflag:$0x0] =	sbarrier.arrive $0xFFFF  }
0x51: {  	[tilespmem:s30], [sflag:$0x1] =	stream.indirect.gather [hbm4b:s4+s29], $0x40, s3, s29, $0xb8;
	[tilespmem:$0x17840] =	vst v63  }
0x52: {  	_ = 	snop  }
0x53: {  	[tilespmem:s31], [sflag:$0x2] =	stream.indirect.gather [hbm4b:s4+s29], $0x40, s29, s29, $0xb8;
	[tilespmem:$0x17840] =	vst v63  }
0x54: {  	_ =	swait.ge [sflag:s0], $0x1400  }
0x55: {  	[sflag:s0] =	ssyncset.done $0x0  }
0x56: {  	s17 =	simm.s32 $0x4E20;
	[sflag:s0] =	ssyncadd.s32 $0xFFFFEC00  }
0x57: {  	[spmem:s2] =	stream.indirect.scatter.add.f32 [tilespmem:s30], [sflag:$0x3], $0x40, s17, s29, $0xb8;
	[tilespmem:$0x17840] =	vst v63  }
0x58: {  	_ =	swait.ge [sflag:s25], $0x1400  }
0x59: {  	[sflag:s25] =	ssyncset.done $0x0  }
0x5a: {  	s16 =	simm.s32 $0xA0;
	[sflag:s25] =	ssyncadd.s32 $0xFFFFEC00  }
0x5b: {  	[tilespmem:s30], [sflag:$0x1] =	stream.indirect.gather [hbm4b:s4+s29], $0x40, s16, s29, $0xb8;
	[tilespmem:$0x17840] =	vst v63  }
0x5c: {  	_ =	swait.ge [sflag:s1], $0x1400  }
0x5d: {  	[sflag:s1] =	ssyncset.done $0x0  }
0x5e: {  	s17 =	simm.s32 $0x4E70;
	[sflag:s1] =	ssyncadd.s32 $0xFFFFEC00  }
0x5f: {  	[spmem:s2] =	stream.indirect.scatter.add.f32 [tilespmem:s31], [sflag:$0x3], $0x40, s17, s29, $0xb8;
	[tilespmem:$0x17840] =	vst v63  }
0x60: {  	_ =	swait.ge [sflag:s25], $0x1400  }
0x61: {  	[sflag:s25] =	ssyncset.done $0x0  }
0x62: {  	s7 =	simm.s32 $0x280;
	s16 =	simm.s32 $0xF0;
	[sflag:s25] =	ssyncadd.s32 $0xFFFFEC00  }
.LBB2_2:
0x63: {  	[tilespmem:s31], [sflag:$0x2] =	stream.indirect.gather [hbm4b:s4+s29], $0x40, s16, s29, $0xb8;
	[tilespmem:$0x17840] =	vst v63  }
0x64: {  	s16 =	smov.u32 s7  }
0x65: {  	p0 =	sne.s32 s7, $0x13380;
	s7 =	sadd.s32 $0x280, s7;
	_ =	swait.ge [sflag:s0], $0x1400  }
0x66: {  	s16 =	sshra.s32 s16, $0x2;
	[sflag:s0] =	ssyncset.done $0x0  }
0x67: {  	s17 =	sadd.s32 $0x4E20, s16;
	[sflag:s0] =	ssyncadd.s32 $0xFFFFEC00  }
0x68: {  	[spmem:s2] =	stream.indirect.scatter.add.f32 [tilespmem:s30], [sflag:$0x3], $0x40, s17, s29, $0xb8;
	[tilespmem:$0x17840] =	vst v63  }
0x69: {  	_ =	swait.ge [sflag:s25], $0x1400  }
0x6a: {  	[sflag:s25] =	ssyncset.done $0x0  }
0x6b: {  	s17 =	sadd.s32 $0xA0, s16;
	[sflag:s25] =	ssyncadd.s32 $0xFFFFEC00  }
0x6c: {  	[tilespmem:s30], [sflag:$0x1] =	stream.indirect.gather [hbm4b:s4+s29], $0x40, s17, s29, $0xb8;
	[tilespmem:$0x17840] =	vst v63  }
0x6d: {  	_ =	swait.ge [sflag:s1], $0x1400  }
0x6e: {  	[sflag:s1] =	ssyncset.done $0x0  }
.Ltmp0:
0x6f: {  	s17 =	sadd.s32 $0x4E70, s16;
	[sflag:s1] =	ssyncadd.s32 $0xFFFFEC00;
	(pc) =	sbr.rel @p0 .LBB2_2-.Ltmp0, $4  }
0x70: {  	[spmem:s2] =	stream.indirect.scatter.add.f32 [tilespmem:s31], [sflag:$0x3], $0x40, s17, s29, $0xb8;
	[tilespmem:$0x17840] =	vst v63  }
0x71: {  	_ =	swait.ge [sflag:s25], $0x1400  }
0x72: {  	[sflag:s25] =	ssyncset.done $0x0  }
0x73: {  	s16 =	sadd.s32 $0xF0, s16;
	[sflag:s25] =	ssyncadd.s32 $0xFFFFEC00  }
0x74: {  	[tilespmem:s31], [sflag:$0x2] =	stream.indirect.gather [hbm4b:s4+s29], $0x40, s16, s29, $0xb8;
	[tilespmem:$0x17840] =	vst v63  }
0x75: {  	_ =	swait.ge [sflag:s0], $0x1400  }
0x76: {  	[sflag:s0] =	ssyncset.done $0x0  }
0x77: {  	s7 =	simm.s32 $0x9BA0;
	[sflag:s0] =	ssyncadd.s32 $0xFFFFEC00  }
0x78: {  	[spmem:s2] =	stream.indirect.scatter.add.f32 [tilespmem:s30], [sflag:$0x3], $0x40, s7, s29, $0xb8;
	[tilespmem:$0x17840] =	vst v63  }
0x79: {  	_ =	swait.ge [sflag:s25], $0x1400  }
0x7a: {  	[sflag:s25] =	ssyncset.done $0x0  }
0x7b: {  	[sflag:s25] =	ssyncadd.s32 $0xFFFFEC00  }
0x7c: {  	_ =	swait.ge [sflag:s1], $0x1400  }
0x7d: {  	[sflag:s1] =	ssyncset.done $0x0  }
0x7e: {  	s17 =	simm.s32 $0x9BF0;
	[sflag:s1] =	ssyncadd.s32 $0xFFFFEC00  }
0x7f: {  	[spmem:s2] =	stream.indirect.scatter.add.f32 [tilespmem:s31], [sflag:$0x3], $0x40, s17, s29, $0xb8;
	[tilespmem:$0x17840] =	vst v63  }
0x80: {  	_ =	swait.ge [sflag:s25], $0x1400  }
0x81: {  	[sflag:s25] =	ssyncset.done $0x0  }
0x82: {  	[sflag:s25] =	ssyncadd.s32 $0xFFFFEC00  }
0x83: {  	[bflag:$0x0] =	sbarrier.arrive $0xFFFF  }
0x84: {  	[tilespmem:s28], [sflag:$0x3] =	stream.linear.gather [spmem:s8], $0x1400, $0x38;
	[tilespmem:$0x17840] =	vst v63  }
0x85: {  	_ =	swait.ge [sflag:s25], $0x1400  }
0x86: {  	[sflag:s25] =	ssyncset.done $0x0  }
0x87: {  	s16 =	rddreg [dreg:$0x7];
	[sflag:s25] =	ssyncadd.s32 $0xFFFFEC00  }
0x88: {  	[hbm4b:s16+s26] =	stream.strided.scatter [tilespmem:s28], [sflag:$0x3], $0x1400, s5, s26, $0x38;
	[tilespmem:$0x17840] =	vst v63  }
0x89: {  	_ =	swait.ge [sflag:s25], $0x1400  }
0x8a: {  	[sflag:s25] =	ssyncset.done $0x0  }
0x8b: {  	[sflag:s25] =	ssyncadd.s32 $0xFFFFEC00  }
0x8c: {  	[tilespmem:s28], [sflag:$0x3] =	stream.linear.gather [spmem:s9], $0x1400, $0x38;
	[tilespmem:$0x17840] =	vst v63  }
0x8d: {  	_ =	swait.ge [sflag:s25], $0x1400  }
0x8e: {  	[sflag:s25] =	ssyncset.done $0x0  }
0x8f: {  	s17 =	rddreg [dreg:$0x8];
	[sflag:s25] =	ssyncadd.s32 $0xFFFFEC00  }
0x90: {  	[hbm4b:s17+s26] =	stream.strided.scatter [tilespmem:s28], [sflag:$0x3], $0x1400, s5, s26, $0x38;
	[tilespmem:$0x17840] =	vst v63  }
0x91: {  	_ =	swait.ge [sflag:s25], $0x1400  }
0x92: {  	[sflag:s25] =	ssyncset.done $0x0  }
0x93: {  	[sflag:s25] =	ssyncadd.s32 $0xFFFFEC00  }
0x94: {  	[tilespmem:s28], [sflag:$0x3] =	stream.linear.gather [spmem:s10], $0x1400, $0x38;
	[tilespmem:$0x17840] =	vst v63  }
0x95: {  	_ =	swait.ge [sflag:s25], $0x1400  }
0x96: {  	[sflag:s25] =	ssyncset.done $0x0  }
0x97: {  	[sflag:s25] =	ssyncadd.s32 $0xFFFFEC00  }
0x98: {  	[hbm4b:s18+s26] =	stream.strided.scatter [tilespmem:s28], [sflag:$0x3], $0x1400, s5, s26, $0x38;
	[tilespmem:$0x17840] =	vst v63  }
0x99: {  	_ =	swait.ge [sflag:s25], $0x1400  }
0x9a: {  	[sflag:s25] =	ssyncset.done $0x0  }
0x9b: {  	[sflag:s25] =	ssyncadd.s32 $0xFFFFEC00  }
0x9c: {  	[tilespmem:s28], [sflag:$0x3] =	stream.linear.gather [spmem:s11], $0x1400, $0x38;
	[tilespmem:$0x17840] =	vst v63  }
0x9d: {  	_ =	swait.ge [sflag:s25], $0x1400  }
0x9e: {  	[sflag:s25] =	ssyncset.done $0x0  }
0x9f: {  	[sflag:s25] =	ssyncadd.s32 $0xFFFFEC00  }
0xa0: {  	[hbm4b:s19+s26] =	stream.strided.scatter [tilespmem:s28], [sflag:$0x3], $0x1400, s5, s26, $0x38;
	[tilespmem:$0x17840] =	vst v63  }
0xa1: {  	_ =	swait.ge [sflag:s25], $0x1400  }
0xa2: {  	[sflag:s25] =	ssyncset.done $0x0  }
0xa3: {  	[sflag:s25] =	ssyncadd.s32 $0xFFFFEC00  }
0xa4: {  	[tilespmem:s28], [sflag:$0x3] =	stream.linear.gather [spmem:s12], $0x1400, $0x38;
	[tilespmem:$0x17840] =	vst v63  }
0xa5: {  	_ =	swait.ge [sflag:s25], $0x1400  }
0xa6: {  	[sflag:s25] =	ssyncset.done $0x0  }
0xa7: {  	[sflag:s25] =	ssyncadd.s32 $0xFFFFEC00  }
0xa8: {  	[hbm4b:s20+s26] =	stream.strided.scatter [tilespmem:s28], [sflag:$0x3], $0x1400, s5, s26, $0x38;
	[tilespmem:$0x17840] =	vst v63  }
0xa9: {  	_ =	swait.ge [sflag:s25], $0x1400  }
0xaa: {  	[sflag:s25] =	ssyncset.done $0x0  }
0xab: {  	[sflag:s25] =	ssyncadd.s32 $0xFFFFEC00  }
0xac: {  	[tilespmem:s28], [sflag:$0x3] =	stream.linear.gather [spmem:s13], $0x1400, $0x38;
	[tilespmem:$0x17840] =	vst v63  }
0xad: {  	_ =	swait.ge [sflag:s25], $0x1400  }
0xae: {  	[sflag:s25] =	ssyncset.done $0x0  }
0xaf: {  	[sflag:s25] =	ssyncadd.s32 $0xFFFFEC00  }
0xb0: {  	[hbm4b:s21+s26] =	stream.strided.scatter [tilespmem:s28], [sflag:$0x3], $0x1400, s5, s26, $0x38;
	[tilespmem:$0x17840] =	vst v63  }
0xb1: {  	_ =	swait.ge [sflag:s25], $0x1400  }
0xb2: {  	[sflag:s25] =	ssyncset.done $0x0  }
0xb3: {  	[sflag:s25] =	ssyncadd.s32 $0xFFFFEC00  }
0xb4: {  	[tilespmem:s28], [sflag:$0x3] =	stream.linear.gather [spmem:s14], $0x1400, $0x38;
	[tilespmem:$0x17840] =	vst v63  }
0xb5: {  	_ =	swait.ge [sflag:s25], $0x1400  }
0xb6: {  	[sflag:s25] =	ssyncset.done $0x0  }
0xb7: {  	[sflag:s25] =	ssyncadd.s32 $0xFFFFEC00  }
0xb8: {  	[hbm4b:s22+s26] =	stream.strided.scatter [tilespmem:s28], [sflag:$0x3], $0x1400, s5, s26, $0x38;
	[tilespmem:$0x17840] =	vst v63  }
0xb9: {  	_ =	swait.ge [sflag:s25], $0x1400  }
0xba: {  	[sflag:s25] =	ssyncset.done $0x0  }
0xbb: {  	[sflag:s25] =	ssyncadd.s32 $0xFFFFEC00  }
0xbc: {  	[tilespmem:s28], [sflag:$0x3] =	stream.linear.gather [spmem:s15], $0x1400, $0x38;
	[tilespmem:$0x17840] =	vst v63  }
0xbd: {  	s6 =	sadd.s32 $0x1, s6;
	_ =	swait.ge [sflag:s25], $0x1400  }
0xbe: {  	p0 =	sne.s32 s6, s24;
	[sflag:s25] =	ssyncset.done $0x0  }
.Ltmp1:
0xbf: {  	[sflag:s25] =	ssyncadd.s32 $0xFFFFEC00;
	(pc) =	sbr.rel @p0 .LBB2_1-.Ltmp1, $4  }
0xc0: {  	[hbm4b:s23+s26] =	stream.strided.scatter [tilespmem:s28], [sflag:$0x3], $0x1400, s5, s26, $0x38;
	[tilespmem:$0x17840] =	vst v63  }
0xc1: {  	_ =	swait.ge [sflag:s25], $0x1400  }
0xc2: {  	[sflag:s25] =	ssyncset.done $0x0  }
0xc3: {  	[sflag:s25] =	ssyncadd.s32 $0xFFFFEC00  }
0xc4: {  	_ =	sfence.sel $0x180000  }
0xc5: {  	[bflag:$0x0] =	sbarrier.arrive $0xFFFF  }
0xc6: {  	_ =	strace $0x9000004A  }
0xc7: {  	s0 =	stileid.u32;
	[bflag:$0x2] =	sbarrier.arrive $0xFFFF  }
0xc8: {  	p0 =	sne.s32 s0, $0x0;
	s0 =	rddreg [dreg:$0x3]  }
0xc9: {  	s0 =	sadd.s32 @!p0 $0x100000, s0  }
0xca: {  	[sflag:s0] =	ssyncadd.tile.s32 @!p0 $0x1;
	_ =	shalt  }
.Lfunc_end2:
_tile_overlayer_lowered:
.L_overlay_start_2:
0xcb: {  	(tag) =	ssettag $0x2  }
0xcc: {  	s0 =	rddreg [dreg:$0x0];
	s2 =	stileid.u32  }
0xcd: {  	s1 =	rddreg [dreg:$0x1];
	p0 =	sne.s32 s2, $0x0  }
0xce: {  	s3 =	rddreg [dreg:$0x2];
	[bflag:$0x3] =	sbarrier.arrive $0xFFFF;
	s2 =	simm.s32 @!p0 $0x1C03  }
0xcf: {  	[timem:s3], [sflag:s2] =	dma.local @!p0 [hbm:s0], s1  }
0xd0: {  	s0 =	simm.s32 @!p0 $0x3  }
0xd1: {  	_ =	swait.ge @!p0 [sflag:s0], s1  }
0xd2: {  	s1 =	ssub.s32 @!p0 $0x0, s1;
	[sflag:s0] =	ssyncset.done @!p0 $0x0  }
0xd3: {  	[sflag:s0] =	ssyncadd.s32 @!p0 s1  }
0xd4: {  	[bflag:$0x3] =	sbarrier.arrive $0xFFFF  }
0xd5: {  	_ =	shalt  }

// kernel: kernel.7.cloned.1.call-start
scs
__scs_entry_jumppad:
0x0: {  	(pc) =	sbr.rel $0x88, $3  }
0x1: {  	(tag) =	ssettag $0x0;
	lr =	simm.s32 $0x1  }
0x2: {  	[smem:$0x3F9B] =	sst lr;
	_ =	strace $0xD0000000  }
0x3: {  	_ = 	snop  }
0x4: {  	_ = 	snop  }
0x5: {  	_ = 	snop  }
0x6: {  	_ = 	snop  }
0x7: {  	_ = 	snop  }
__scs_overlays_trampoline_lowered:
0x8: {  	[smem:$0x3FAA] =	sst s0  }
0x9: {  	[smem:$0x3FAB] =	sst s1  }
0xa: {  	[smem:$0x3FAC] =	sst s2  }
0xb: {  	[smem:$0x3FAD] =	sst s3  }
0xc: {  	[smem:$0x3FAE] =	sst s4  }
0xd: {  	[smem:$0x3FAF] =	sst s5  }
0xe: {  	[smem:$0x3FB0] =	sst s6  }
0xf: {  	[smem:$0x3FB1] =	sst s7  }
0x10: {  	[smem:$0x3FB2] =	sst s8  }
0x11: {  	[smem:$0x3FB3] =	sst s9;
	s0 =	simm.s32 @!p0 $0x0  }
0x12: {  	s1 =	sld [smem:$0x3F99];
	s0 =	simm.s32 @p0 $0x1  }
0x13: {  	[smem:$0x3FB4] =	sst s0;
	s0 =	simm.s32 @!p1 $0x0  }
0x14: {  	s2 =	sld [smem:$0x3F98];
	s0 =	simm.s32 @p1 $0x1  }
0x15: {  	[smem:$0x3FB5] =	sst s0;
	s0 =	simm.s32 @!p2 $0x0  }
0x16: {  	s3 =	sld [smem:$0x3FDB];
	s0 =	simm.s32 @p2 $0x1  }
0x17: {  	s4 =	simm.s32 $0x1BF5;
	[smem:$0x3FB7] =	sst s0  }
0x18: {  	s0 =	sld [smem:$0x3F9A];
	_ =	swait.ge [sflag:s4], $0x0  }
0x19: {  	s7 =	sld [smem:$0x3F9B]  }
0x1a: {  	s8 =	sadd.s32 $0xFFFFE003, lr  }
0x1b: {  	s9 =	sadd.s32 $0xFFFFFEF7, lr;
	s5 =	simm.s32 $0xFFFFFFFF;
	p2 =	slt.u32 s8, $0xFFFFF086  }
0x1c: {  	p1 =	slt.u32 s9, $0xF7A;
	s5 =	simm.s32 @!p2 $0x0  }
0x1d: {  	s5 =	simm.s32 @p1 $0x1;
	p0 =	seq.s32 s7, s2  }
0x1e: {  	s7 =	smul.u32 @!p0 $0xF7A, s2;
	p2 =	seq.s32 @!p0 s5, $0x0  }
0x1f: {  	s9 =	smul.u32 $0xF7A, s1;
	s8 =	simm.s32 @!p0 $0x1BF5;
	p2 =	por !p2, p0  }
0x20: {  	[sflag:s8] =	ssyncset.s32 @!p0 $0xFFFFF086;
	s6 =	sadd.s32 @!p0 s3, s7;
	s7 =	simm.s32 @!p0 $0x108  }
0x21: {  	s3 =	sadd.s32 s3, s9;
	s6 =	sadd.s32 @!p0 $0x88, s6;
	s7 =	simm.s32 @p2 $0x1082  }
0x22: {  	[simem:s7], [sflag:s8] =	dma.local @!p0 [hbm:s6], $0xF7A  }
0x23: {  	s9 =	sor.u32 $0xD0000000, s2;
	s6 =	simm.s32 $0x108;
	_ =	swait.ge @!p0 [sflag:s8], $0x0  }
0x24: {  	s3 =	sadd.s32 $0x88, s3;
	s6 =	simm.s32 @!p1 $0x1082;
	[sflag:s4] =	ssyncset.s32 $0xFFFFF086  }
0x25: {  	[simem:s6], [sflag:s4] =	dma.local [hbm:s3], $0xF7A  }
0x26: {  	[smem:$0x3F9B] =	sst s1;
	(tag) =	ssettag s2;
	_ =	strace s9  }
0x27: {  	s1 =	sld [smem:$0x3FAB]  }
0x28: {  	s2 =	sld [smem:$0x3FAC]  }
0x29: {  	s4 =	sld [smem:$0x3FAE]  }
0x2a: {  	p0 =	seq.s32 s5, $0x0;
	s5 =	sld [smem:$0x3FAF]  }
0x2b: {  	s6 =	sld [smem:$0x3FB0]  }
0x2c: {  	s7 =	sld [smem:$0x3FB1]  }
0x2d: {  	s3 =	simm.s32 $0x108;
	s8 =	sld [smem:$0x3FB2]  }
0x2e: {  	s3 =	simm.s32 @!p0 $0x1082;
	s9 =	sld [smem:$0x3FB3]  }
0x2f: {  	lr =	sadd.s32 s0, s3;
	s0 =	sld [smem:$0x3FAA]  }
0x30: {  	s3 =	sld [smem:$0x3FAD]  }
0x31: {  	[smem:$0x3FB6] =	sst s10  }
0x32: {  	s10 =	sld [smem:$0x3FB4];
	_ =	sdelay $0x3  }
0x33: {  	p0 =	seq.s32 s10, $0x1;
	s10 =	sld [smem:$0x3FB6];
	_ =	sdelay $0x3  }
0x34: {  	[smem:$0x3FB6] =	sst s10  }
0x35: {  	s10 =	sld [smem:$0x3FB5];
	_ =	sdelay $0x3  }
0x36: {  	p1 =	seq.s32 s10, $0x1;
	s10 =	sld [smem:$0x3FB6];
	_ =	sdelay $0x3  }
0x37: {  	[smem:$0x3FB6] =	sst s10  }
0x38: {  	s10 =	sld [smem:$0x3FB7]  }
0x39: {  	_ = 	snop;
	(pc) =	sbr.ind lr, $3  }
0x3a: {  	_ = 	snop  }
0x3b: {  	_ = 	snop  }
0x3c: {  	p2 =	seq.s32 s10, $0x1;
	s10 =	sld [smem:$0x3FB6]  }
0x3d: {  	_ =	shalt  }
0x3e: {  	_ =	shalt  }
0x3f: {  	_ =	shalt  }
0x40: {  	_ =	shalt  }
0x41: {  	_ =	shalt  }
0x42: {  	_ =	shalt  }
0x43: {  	_ =	shalt  }
0x44: {  	_ =	shalt  }
0x45: {  	_ =	shalt  }
0x46: {  	_ =	shalt  }
0x47: {  	_ =	shalt  }
0x48: {  	_ =	shalt  }
0x49: {  	_ =	shalt  }
0x4a: {  	_ =	shalt  }
0x4b: {  	_ =	shalt  }
0x4c: {  	_ =	shalt  }
0x4d: {  	_ =	shalt  }
0x4e: {  	_ =	shalt  }
0x4f: {  	_ =	shalt  }
0x50: {  	_ =	shalt  }
0x51: {  	_ =	shalt  }
0x52: {  	_ =	shalt  }
0x53: {  	_ =	shalt  }
0x54: {  	_ =	shalt  }
0x55: {  	_ =	shalt  }
0x56: {  	_ =	shalt  }
0x57: {  	_ =	shalt  }
0x58: {  	_ =	shalt  }
0x59: {  	_ =	shalt  }
0x5a: {  	_ =	shalt  }
0x5b: {  	_ =	shalt  }
0x5c: {  	_ =	shalt  }
0x5d: {  	_ =	shalt  }
0x5e: {  	_ =	shalt  }
0x5f: {  	_ =	shalt  }
0x60: {  	_ =	shalt  }
0x61: {  	_ =	shalt  }
0x62: {  	_ =	shalt  }
0x63: {  	_ =	shalt  }
0x64: {  	_ =	shalt  }
0x65: {  	_ =	shalt  }
0x66: {  	_ =	shalt  }
0x67: {  	_ =	shalt  }
0x68: {  	_ =	shalt  }
0x69: {  	_ =	shalt  }
0x6a: {  	_ =	shalt  }
0x6b: {  	_ =	shalt  }
0x6c: {  	_ =	shalt  }
0x6d: {  	_ =	shalt  }
0x6e: {  	_ =	shalt  }
0x6f: {  	_ =	shalt  }
0x70: {  	_ =	shalt  }
0x71: {  	_ =	shalt  }
0x72: {  	_ =	shalt  }
0x73: {  	_ =	shalt  }
0x74: {  	_ =	shalt  }
0x75: {  	_ =	shalt  }
0x76: {  	_ =	shalt  }
0x77: {  	_ =	shalt  }
0x78: {  	_ =	shalt  }
0x79: {  	_ =	shalt  }
0x7a: {  	_ =	shalt  }
0x7b: {  	_ =	shalt  }
0x7c: {  	_ =	shalt  }
0x7d: {  	_ =	shalt  }
0x7e: {  	_ =	shalt  }
0x7f: {  	_ =	shalt  }
0x80: {  	_ =	shalt  }
0x81: {  	_ =	shalt  }
0x82: {  	_ =	shalt  }
0x83: {  	_ =	shalt  }
0x84: {  	_ =	shalt  }
0x85: {  	_ =	shalt  }
0x86: {  	_ =	shalt  }
0x87: {  	_ =	shalt  }
.Lfunc_end0:
.L_simem_size_0:
called_computation_lowered:
.L_overlay_start_0:
0x88: {  	s2 =	sld [smem:$0x3FD9]  }
0x89: {  	s3 =	sld [smem:$0x3FFE];
	_ =	sdelay $0x1  }
0x8a: {  	s1 =	srdreg.scid  }
0x8b: {  	s0 =	sand.u32 $0x1, s1  }
0x8c: {  	s17 =	sshll.u32 s0, $0xA;
	s2 =	sadd.s32 s3, s2  }
0x8d: {  	s2 =	sadd.s32 s2, s17  }
0x8e: {  	[smem:$0x3FC2] =	sst s2  }
0x8f: {  	_ = 	snop  }
0x90: {  	s2 =	sld [smem:$0x3FD0];
	(tm) =	ssettm $0x1  }
0x91: {  	s18 =	sld [smem:$0x3FFB];
	_ =	sdelay $0x3  }
0x92: {  	_ =	strace s18  }
0x93: {  	s3 =	sld [smem:$0x3FFC];
	_ =	sdelay $0x3  }
0x94: {  	_ =	strace s3  }
0x95: {  	s3 =	sld [smem:$0x3FFD];
	_ =	sdelay $0x3  }
0x96: {  	_ =	strace s3  }
0x97: {  	_ =	strace $0x8FFFFFFF  }
0x98: {  	s19 =	sld [smem:$0x3FDB];
	_ =	sdelay $0x1  }
0x99: {  	s4 =	simm.s32 $_scs_section_size  }
0x9a: {  	s5 =	simm.s32 $_size__tile_overlayer_lowered;
	s6 =	simm.s32 $_tile_overlayer_lowered  }
0x9b: {  	s22 =	simm.s32 $0x1BFF;
	s21 =	sshll.u32 s6, $0x1;
	s3 =	sadd.s32 s4, s19  }
0x9c: {  	s7 =	simm.s32 $0x0;
	s20 =	sshll.u32 s5, $0x1;
	s5 =	sadd.s32 s21, s3  }
0x9d: {  	[timem:s7], [sflag:s22] =	dma.local [hbm:s5], s20  }
0x9e: {  	_ =	swait.ge [sflag:s22], s20  }
0x9f: {  	s4 =	ssub.s32 $0x0, s20;
	[sflag:s22] =	ssyncset.done $0x0  }
0xa0: {  	[sflag:s22] =	ssyncadd.s32 s4;
	_ =	sdelay $0x1  }
0xa1: {  	s23 =	simm.s32 $0x1B8B  }
0xa2: {  	_ =	swait.ge [sflag:s23], $0x1  }
0xa3: {  	[sflag:s23] =	ssyncset.done $0x0  }
0xa4: {  	s25 =	simm.s32 $0x1B8E;
	s24 =	sld [smem:$0x3FFE];
	[sflag:s23] =	ssyncadd.s32 $0xFFFFFFFF  }
0xa5: {  	s26 =	simm.s32 $execute0_lowered;
	[smem:$0x3FD2] =	sst s25  }
0xa6: {  	s5 =	sshll.u32 s26, $0x1;
	_ =	strace $0x80000046;
	[dreg:$0x1] =	wrdreg $0xFFFFFFFF  }
0xa7: {  	s28 =	simm.s32 $_size_execute0_lowered;
	s3 =	sadd.s32 s3, s5;
	[dreg:$0x0] =	wrdreg $0x0  }
0xa8: {  	s5 =	sshll.u32 s28, $0x1;
	[dreg:$0x2] =	wrdreg s3  }
0xa9: {  	[dreg:$0x3] =	wrdreg s5  }
0xaa: {  	[dreg:$0x4] =	wrdreg $0xC0  }
0xab: {  	_ =	task [dreg:s7], $0x5FFFF  }
0xac: {  	[dreg:$0x1] =	wrdreg $0xFFFFFFFF  }
0xad: {  	[dreg:$0x0] =	wrdreg $0x60  }
0xae: {  	[dreg:$0x2] =	wrdreg s24  }
0xaf: {  	[dreg:$0x3] =	wrdreg s2  }
0xb0: {  	[dreg:$0x4] =	wrdreg $0xD8400  }
0xb1: {  	[dreg:$0x5] =	wrdreg $0x9  }
0xb2: {  	_ =	task.clear_ibuf [dreg:s7], $0x6FFFF;
	_ =	strace $0x90000046  }
0xb3: {  	s29 =	simm.s32 $0x9;
	_ =	strace $0x80000048  }
0xb4: {  	_ =	swait.ge [sflag:s29], $0x1  }
0xb5: {  	[sflag:s29] =	ssyncadd.s32 $0xFFFFFFFF  }
0xb6: {  	_ =	strace $0x90000048  }
0xb7: {  	_ =	sfence  }
0xb8: {  	s30 =	sld [smem:$0x0];
	_ =	sdelay $0x2  }
0xb9: {  	s31 =	sshll.u32 s1, $0xD;
	s1 =	sshrl.u32 s1, $0x2  }
0xba: {  	s3 =	sand.u32 $0x4000, s31;
	s1 =	sadd.s32 s1, s30  }
0xbb: {  	s0 =	sor.u32 s3, s0;
	s1 =	sshll.u32 s1, $0x11  }
0xbc: {  	s0 =	sor.u32 s1, s0  }
0xbd: {  	s0 =	sadd.s32 $0x8F2B, s0  }
0xbe: {  	[sflag:s0] =	ssyncadd.remote.s32 $0x1  }
0xbf: {  	_ =	sfence.sel $0xFFFF  }
0xc0: {  	[dreg:$0x0] =	wrdreg $0xFFFFFFFF;
	(pc) =	sbr.abs _section_cstart, $3  }
0xc1: {  	[dreg:$0x1] =	wrdreg $0xFFFFFFFF  }
0xc2: {  	_ =	task.clear_ibuf [dreg:s7], $0x2FFFF;
	_ =	strace $0x9FFFFFFF  }
0xc3: {  	(tm) =	ssettm $0x7FFFFFFF  }
tec
execute0_lowered:
.L_overlay_start_1:
0x0: {  	(tag) =	ssettag $0x1  }
0x1: {  	s1 =	rddreg [dreg:$0x0]  }
0x2: {  	s5 =	rddreg [dreg:$0x1]  }
0x3: {  	s2 =	rddreg [dreg:$0x2];
	s3 =	simm.s32 $0x0  }
0x4: {  	s16 =	stileid.u32;
	s0 =	srdreg.scid;
	s28 =	simm.s32 $0xC440  }
0x5: {  	s29 =	simm.s32 $0x50;
	s30 =	simm.s32 $0x9C40;
	s6 =	smul.u32 $0x4E20, s16  }
0x6: {  	s31 =	simm.s32 $0xB040;
	[smem:$0x7FF] =	sst s3;
	s11 =	smul.u32 $0x280, s16  }
0x7: {  	s7 =	sand.u32 $0x1, s0;
	s4 =	sadd.s32 $0xB200, s1;
	s18 =	smul.u32 $0x14000, s16  }
0x8: {  	s26 =	sadd.s32 $0x33200, s1;
	_ =	strace $0x80000047;
	s0 =	smul.u32 $0x4E200, s7  }
0x9: {  	s9 =	ssub.s32 $0x2, s7;
	s7 =	sshll.u32 s7, $0x6;
	[dreg:$0x5] =	wrdreg s26  }
0xa: {  	s8 =	sshrl.u32 s6, $0x3;
	s10 =	sshrl.u32 s9, $0x1;
	s12 =	sadd.s32 $0xF0, s11  }
0xb: {  	s13 =	sadd.s32 $0x140, s11;
	s14 =	sadd.s32 $0x190, s11;
	s15 =	sadd.s32 $0x1E0, s11  }
0xc: {  	s17 =	sor.u32 s7, s18;
	s6 =	sadd.s32 s6, s0;
	s8 =	sadd.s32 s8, s1  }
0xd: {  	s0 =	ssub.s32 s9, s10;
	s9 =	sadd.s32 $0xA0, s11;
	s21 =	sshll.u32 s12, $0x7  }
0xe: {  	s22 =	sshll.u32 s13, $0x7;
	s23 =	sshll.u32 s14, $0x7;
	s24 =	sshll.u32 s15, $0x7  }
0xf: {  	s1 =	sadd.s32 $0x33600, s1;
	s6 =	sshrl.u32 s6, $0x3;
	s20 =	sshll.u32 s9, $0x7  }
0x10: {  	s8 =	sadd.s32 $0x1400, s8;
	s10 =	sshll.u32 s9, $0x6;
	s5 =	sadd.s32 s5, s6  }
0x11: {  	s6 =	sor.u32 $0x50, s11;
	[dreg:$0x6] =	wrdreg s8;
	s10 =	sadd.s32 s10, s2  }
0x12: {  	[dreg:$0x4] =	wrdreg s5;
	s5 =	smul.u32 $0x28000, s16;
	s16 =	sadd.s32 $0x230, s11  }
0x13: {  	s19 =	sshll.u32 s6, $0x7;
	s6 =	sshll.u32 s6, $0x6;
	s11 =	sshll.u32 s12, $0x6  }
0x14: {  	s12 =	sshll.u32 s13, $0x6;
	s13 =	sshll.u32 s14, $0x6;
	s14 =	sshll.u32 s15, $0x6  }
0x15: {  	s18 =	sor.u32 s7, s19;
	s19 =	sor.u32 s7, s20;
	s20 =	sor.u32 s7, s21  }
0x16: {  	s21 =	sor.u32 s7, s22;
	s22 =	sor.u32 s7, s23;
	s25 =	sshll.u32 s16, $0x7  }
0x17: {  	s23 =	sor.u32 s7, s24;
	s9 =	sadd.s32 s6, s2;
	s11 =	sadd.s32 s11, s2  }
0x18: {  	s12 =	sadd.s32 s12, s2;
	s13 =	sadd.s32 s13, s2;
	s14 =	sadd.s32 s14, s2  }
0x19: {  	s15 =	sshll.u32 s16, $0x6;
	s16 =	sshrl.u32 s17, $0x3;
	s6 =	simm.s32 $0x0  }
0x1a: {  	s7 =	sor.u32 s7, s25;
	s5 =	sshrl.u32 s5, $0x2;
	s15 =	sadd.s32 s15, s2  }
0x1b: {  	s17 =	sadd.s32 s1, s16;
	s18 =	sshrl.u32 s18, $0x3;
	s19 =	sshrl.u32 s19, $0x3  }
0x1c: {  	s20 =	sshrl.u32 s20, $0x3;
	s21 =	sshrl.u32 s21, $0x3;
	s24 =	sshrl.u32 s22, $0x3  }
0x1d: {  	s25 =	sshrl.u32 s23, $0x3;
	s8 =	sadd.s32 s5, s2;
	[dreg:$0x7] =	wrdreg s17  }
0x1e: {  	s5 =	sadd.s32 s1, s18;
	s18 =	sadd.s32 s1, s19;
	s19 =	sadd.s32 s1, s20  }
0x1f: {  	s20 =	sadd.s32 s1, s21;
	s21 =	sadd.s32 s1, s24;
	s22 =	sadd.s32 s1, s25  }
0x20: {  	s26 =	sshrl.u32 s7, $0x3;
	s24 =	smax.u32 s0, $0x1;
	s25 =	simm.s32 $0x3  }
0x21: {  	s0 =	simm.s32 $0x1;
	[dreg:$0x8] =	wrdreg s5;
	s23 =	sadd.s32 s1, s26  }
0x22: {  	s1 =	simm.s32 $0x2;
	s26 =	simm.s32 $0x40;
	s5 =	simm.s32 $0x80  }
.LBB2_1:
0x23: {  	s7 =	rddreg [dreg:$0x4]  }
0x24: {  	[tilespmem:s3], [sflag:$0x3] =	stream.linear.gather [hbm4b:s7+s3], $0x4E20, $0x38;
	[tilespmem:$0x17840] =	vst v63  }
0x25: {  	_ =	swait.ge [sflag:s25], $0x4E20  }
0x26: {  	[sflag:s25] =	ssyncset.done $0x0  }
0x27: {  	s16 =	simm.s32 $0x4E20;
	s17 =	rddreg [dreg:$0x6];
	[sflag:s25] =	ssyncadd.s32 $0xFFFFB1E0  }
0x28: {  	[tilespmem:s16], [sflag:$0x3] =	stream.linear.gather [hbm4b:s17+s3], $0x4E20, $0x38;
	[tilespmem:$0x17840] =	vst v63  }
0x29: {  	_ =	swait.ge [sflag:s25], $0x4E20  }
0x2a: {  	[sflag:s25] =	ssyncset.done $0x0  }
0x2b: {  	s16 =	rddreg [dreg:$0x5];
	[sflag:s25] =	ssyncadd.s32 $0xFFFFB1E0  }
0x2c: {  	[tilespmem:s28], [sflag:$0x3] =	stream.linear.gather [hbm4b:s16+s3], $0x1400, $0x38;
	[tilespmem:$0x17840] =	vst v63  }
0x2d: {  	_ =	swait.ge [sflag:s25], $0x1400  }
0x2e: {  	[sflag:s25] =	ssyncset.done $0x0  }
0x2f: {  	[sflag:s25] =	ssyncadd.s32 $0xFFFFEC00  }
0x30: {  	[spmem:s8] =	stream.linear.scatter [tilespmem:s28], [sflag:$0x3], $0x1400, $0x38;
	[tilespmem:$0x17840] =	vst v63  }
0x31: {  	_ =	swait.ge [sflag:s25], $0x1400  }
0x32: {  	[sflag:s25] =	ssyncset.done $0x0  }
0x33: {  	[sflag:s25] =	ssyncadd.s32 $0xFFFFEC00  }
0x34: {  	[spmem:s9] =	stream.linear.scatter [tilespmem:s28], [sflag:$0x3], $0x1400, $0x38;
	[tilespmem:$0x17840] =	vst v63  }
0x35: {  	_ =	swait.ge [sflag:s25], $0x1400  }
0x36: {  	[sflag:s25] =	ssyncset.done $0x0  }
0x37: {  	[sflag:s25] =	ssyncadd.s32 $0xFFFFEC00  }
0x38: {  	[spmem:s10] =	stream.linear.scatter [tilespmem:s28], [sflag:$0x3], $0x1400, $0x38;
	[tilespmem:$0x17840] =	vst v63  }
0x39: {  	_ =	swait.ge [sflag:s25], $0x1400  }
0x3a: {  	[sflag:s25] =	ssyncset.done $0x0  }
0x3b: {  	[sflag:s25] =	ssyncadd.s32 $0xFFFFEC00  }
0x3c: {  	[spmem:s11] =	stream.linear.scatter [tilespmem:s28], [sflag:$0x3], $0x1400, $0x38;
	[tilespmem:$0x17840] =	vst v63  }
0x3d: {  	_ =	swait.ge [sflag:s25], $0x1400  }
0x3e: {  	[sflag:s25] =	ssyncset.done $0x0  }
0x3f: {  	[sflag:s25] =	ssyncadd.s32 $0xFFFFEC00  }
0x40: {  	[spmem:s12] =	stream.linear.scatter [tilespmem:s28], [sflag:$0x3], $0x1400, $0x38;
	[tilespmem:$0x17840] =	vst v63  }
0x41: {  	_ =	swait.ge [sflag:s25], $0x1400  }
0x42: {  	[sflag:s25] =	ssyncset.done $0x0  }
0x43: {  	[sflag:s25] =	ssyncadd.s32 $0xFFFFEC00  }
0x44: {  	[spmem:s13] =	stream.linear.scatter [tilespmem:s28], [sflag:$0x3], $0x1400, $0x38;
	[tilespmem:$0x17840] =	vst v63  }
0x45: {  	_ =	swait.ge [sflag:s25], $0x1400  }
0x46: {  	[sflag:s25] =	ssyncset.done $0x0  }
0x47: {  	[sflag:s25] =	ssyncadd.s32 $0xFFFFEC00  }
0x48: {  	[spmem:s14] =	stream.linear.scatter [tilespmem:s28], [sflag:$0x3], $0x1400, $0x38;
	[tilespmem:$0x17840] =	vst v63  }
0x49: {  	_ =	swait.ge [sflag:s25], $0x1400  }
0x4a: {  	[sflag:s25] =	ssyncset.done $0x0  }
0x4b: {  	[sflag:s25] =	ssyncadd.s32 $0xFFFFEC00  }
0x4c: {  	[spmem:s15] =	stream.linear.scatter [tilespmem:s28], [sflag:$0x3], $0x1400, $0x38;
	[tilespmem:$0x17840] =	vst v63  }
0x4d: {  	_ =	swait.ge [sflag:s25], $0x1400  }
0x4e: {  	[sflag:s25] =	ssyncset.done $0x0  }
0x4f: {  	[sflag:s25] =	ssyncadd.s32 $0xFFFFEC00  }
0x50: {  	[bflag:$0x0] =	sbarrier.arrive $0xFFFF  }
0x51: {  	[tilespmem:s30], [sflag:$0x1] =	stream.indirect.gather [hbm4b:s4+s29], $0x40, s3, s29, $0xb8;
	[tilespmem:$0x17840] =	vst v63  }
0x52: {  	_ = 	snop  }
0x53: {  	[tilespmem:s31], [sflag:$0x2] =	stream.indirect.gather [hbm4b:s4+s29], $0x40, s29, s29, $0xb8;
	[tilespmem:$0x17840] =	vst v63  }
0x54: {  	_ =	swait.ge [sflag:s0], $0x1400  }
0x55: {  	[sflag:s0] =	ssyncset.done $0x0  }
0x56: {  	s17 =	simm.s32 $0x4E20;
	[sflag:s0] =	ssyncadd.s32 $0xFFFFEC00  }
0x57: {  	[spmem:s2] =	stream.indirect.scatter.add.f32 [tilespmem:s30], [sflag:$0x3], $0x40, s17, s29, $0xb8;
	[tilespmem:$0x17840] =	vst v63  }
0x58: {  	_ =	swait.ge [sflag:s25], $0x1400  }
0x59: {  	[sflag:s25] =	ssyncset.done $0x0  }
0x5a: {  	s16 =	simm.s32 $0xA0;
	[sflag:s25] =	ssyncadd.s32 $0xFFFFEC00  }
0x5b: {  	[tilespmem:s30], [sflag:$0x1] =	stream.indirect.gather [hbm4b:s4+s29], $0x40, s16, s29, $0xb8;
	[tilespmem:$0x17840] =	vst v63  }
0x5c: {  	_ =	swait.ge [sflag:s1], $0x1400  }
0x5d: {  	[sflag:s1] =	ssyncset.done $0x0  }
0x5e: {  	s17 =	simm.s32 $0x4E70;
	[sflag:s1] =	ssyncadd.s32 $0xFFFFEC00  }
0x5f: {  	[spmem:s2] =	stream.indirect.scatter.add.f32 [tilespmem:s31], [sflag:$0x3], $0x40, s17, s29, $0xb8;
	[tilespmem:$0x17840] =	vst v63  }
0x60: {  	_ =	swait.ge [sflag:s25], $0x1400  }
0x61: {  	[sflag:s25] =	ssyncset.done $0x0  }
0x62: {  	s7 =	simm.s32 $0x280;
	s16 =	simm.s32 $0xF0;
	[sflag:s25] =	ssyncadd.s32 $0xFFFFEC00  }
.LBB2_2:
0x63: {  	[tilespmem:s31], [sflag:$0x2] =	stream.indirect.gather [hbm4b:s4+s29], $0x40, s16, s29, $0xb8;
	[tilespmem:$0x17840] =	vst v63  }
0x64: {  	s16 =	smov.u32 s7  }
0x65: {  	p0 =	sne.s32 s7, $0x13380;
	s7 =	sadd.s32 $0x280, s7;
	_ =	swait.ge [sflag:s0], $0x1400  }
0x66: {  	s16 =	sshra.s32 s16, $0x2;
	[sflag:s0] =	ssyncset.done $0x0  }
0x67: {  	s17 =	sadd.s32 $0x4E20, s16;
	[sflag:s0] =	ssyncadd.s32 $0xFFFFEC00  }
0x68: {  	[spmem:s2] =	stream.indirect.scatter.add.f32 [tilespmem:s30], [sflag:$0x3], $0x40, s17, s29, $0xb8;
	[tilespmem:$0x17840] =	vst v63  }
0x69: {  	_ =	swait.ge [sflag:s25], $0x1400  }
0x6a: {  	[sflag:s25] =	ssyncset.done $0x0  }
0x6b: {  	s17 =	sadd.s32 $0xA0, s16;
	[sflag:s25] =	ssyncadd.s32 $0xFFFFEC00  }
0x6c: {  	[tilespmem:s30], [sflag:$0x1] =	stream.indirect.gather [hbm4b:s4+s29], $0x40, s17, s29, $0xb8;
	[tilespmem:$0x17840] =	vst v63  }
0x6d: {  	_ =	swait.ge [sflag:s1], $0x1400  }
0x6e: {  	[sflag:s1] =	ssyncset.done $0x0  }
.Ltmp0:
0x6f: {  	s17 =	sadd.s32 $0x4E70, s16;
	[sflag:s1] =	ssyncadd.s32 $0xFFFFEC00;
	(pc) =	sbr.rel @p0 .LBB2_2-.Ltmp0, $4  }
0x70: {  	[spmem:s2] =	stream.indirect.scatter.add.f32 [tilespmem:s31], [sflag:$0x3], $0x40, s17, s29, $0xb8;
	[tilespmem:$0x17840] =	vst v63  }
0x71: {  	_ =	swait.ge [sflag:s25], $0x1400  }
0x72: {  	[sflag:s25] =	ssyncset.done $0x0  }
0x73: {  	s16 =	sadd.s32 $0xF0, s16;
	[sflag:s25] =	ssyncadd.s32 $0xFFFFEC00  }
0x74: {  	[tilespmem:s31], [sflag:$0x2] =	stream.indirect.gather [hbm4b:s4+s29], $0x40, s16, s29, $0xb8;
	[tilespmem:$0x17840] =	vst v63  }
0x75: {  	_ =	swait.ge [sflag:s0], $0x1400  }
0x76: {  	[sflag:s0] =	ssyncset.done $0x0  }
0x77: {  	s7 =	simm.s32 $0x9BA0;
	[sflag:s0] =	ssyncadd.s32 $0xFFFFEC00  }
0x78: {  	[spmem:s2] =	stream.indirect.scatter.add.f32 [tilespmem:s30], [sflag:$0x3], $0x40, s7, s29, $0xb8;
	[tilespmem:$0x17840] =	vst v63  }
0x79: {  	_ =	swait.ge [sflag:s25], $0x1400  }
0x7a: {  	[sflag:s25] =	ssyncset.done $0x0  }
0x7b: {  	[sflag:s25] =	ssyncadd.s32 $0xFFFFEC00  }
0x7c: {  	_ =	swait.ge [sflag:s1], $0x1400  }
0x7d: {  	[sflag:s1] =	ssyncset.done $0x0  }
0x7e: {  	s17 =	simm.s32 $0x9BF0;
	[sflag:s1] =	ssyncadd.s32 $0xFFFFEC00  }
0x7f: {  	[spmem:s2] =	stream.indirect.scatter.add.f32 [tilespmem:s31], [sflag:$0x3], $0x40, s17, s29, $0xb8;
	[tilespmem:$0x17840] =	vst v63  }
0x80: {  	_ =	swait.ge [sflag:s25], $0x1400  }
0x81: {  	[sflag:s25] =	ssyncset.done $0x0  }
0x82: {  	[sflag:s25] =	ssyncadd.s32 $0xFFFFEC00  }
0x83: {  	[bflag:$0x0] =	sbarrier.arrive $0xFFFF  }
0x84: {  	[tilespmem:s28], [sflag:$0x3] =	stream.linear.gather [spmem:s8], $0x1400, $0x38;
	[tilespmem:$0x17840] =	vst v63  }
0x85: {  	_ =	swait.ge [sflag:s25], $0x1400  }
0x86: {  	[sflag:s25] =	ssyncset.done $0x0  }
0x87: {  	s16 =	rddreg [dreg:$0x7];
	[sflag:s25] =	ssyncadd.s32 $0xFFFFEC00  }
0x88: {  	[hbm4b:s16+s26] =	stream.strided.scatter [tilespmem:s28], [sflag:$0x3], $0x1400, s5, s26, $0x38;
	[tilespmem:$0x17840] =	vst v63  }
0x89: {  	_ =	swait.ge [sflag:s25], $0x1400  }
0x8a: {  	[sflag:s25] =	ssyncset.done $0x0  }
0x8b: {  	[sflag:s25] =	ssyncadd.s32 $0xFFFFEC00  }
0x8c: {  	[tilespmem:s28], [sflag:$0x3] =	stream.linear.gather [spmem:s9], $0x1400, $0x38;
	[tilespmem:$0x17840] =	vst v63  }
0x8d: {  	_ =	swait.ge [sflag:s25], $0x1400  }
0x8e: {  	[sflag:s25] =	ssyncset.done $0x0  }
0x8f: {  	s17 =	rddreg [dreg:$0x8];
	[sflag:s25] =	ssyncadd.s32 $0xFFFFEC00  }
0x90: {  	[hbm4b:s17+s26] =	stream.strided.scatter [tilespmem:s28], [sflag:$0x3], $0x1400, s5, s26, $0x38;
	[tilespmem:$0x17840] =	vst v63  }
0x91: {  	_ =	swait.ge [sflag:s25], $0x1400  }
0x92: {  	[sflag:s25] =	ssyncset.done $0x0  }
0x93: {  	[sflag:s25] =	ssyncadd.s32 $0xFFFFEC00  }
0x94: {  	[tilespmem:s28], [sflag:$0x3] =	stream.linear.gather [spmem:s10], $0x1400, $0x38;
	[tilespmem:$0x17840] =	vst v63  }
0x95: {  	_ =	swait.ge [sflag:s25], $0x1400  }
0x96: {  	[sflag:s25] =	ssyncset.done $0x0  }
0x97: {  	[sflag:s25] =	ssyncadd.s32 $0xFFFFEC00  }
0x98: {  	[hbm4b:s18+s26] =	stream.strided.scatter [tilespmem:s28], [sflag:$0x3], $0x1400, s5, s26, $0x38;
	[tilespmem:$0x17840] =	vst v63  }
0x99: {  	_ =	swait.ge [sflag:s25], $0x1400  }
0x9a: {  	[sflag:s25] =	ssyncset.done $0x0  }
0x9b: {  	[sflag:s25] =	ssyncadd.s32 $0xFFFFEC00  }
0x9c: {  	[tilespmem:s28], [sflag:$0x3] =	stream.linear.gather [spmem:s11], $0x1400, $0x38;
	[tilespmem:$0x17840] =	vst v63  }
0x9d: {  	_ =	swait.ge [sflag:s25], $0x1400  }
0x9e: {  	[sflag:s25] =	ssyncset.done $0x0  }
0x9f: {  	[sflag:s25] =	ssyncadd.s32 $0xFFFFEC00  }
0xa0: {  	[hbm4b:s19+s26] =	stream.strided.scatter [tilespmem:s28], [sflag:$0x3], $0x1400, s5, s26, $0x38;
	[tilespmem:$0x17840] =	vst v63  }
0xa1: {  	_ =	swait.ge [sflag:s25], $0x1400  }
0xa2: {  	[sflag:s25] =	ssyncset.done $0x0  }
0xa3: {  	[sflag:s25] =	ssyncadd.s32 $0xFFFFEC00  }
0xa4: {  	[tilespmem:s28], [sflag:$0x3] =	stream.linear.gather [spmem:s12], $0x1400, $0x38;
	[tilespmem:$0x17840] =	vst v63  }
0xa5: {  	_ =	swait.ge [sflag:s25], $0x1400  }
0xa6: {  	[sflag:s25] =	ssyncset.done $0x0  }
0xa7: {  	[sflag:s25] =	ssyncadd.s32 $0xFFFFEC00  }
0xa8: {  	[hbm4b:s20+s26] =	stream.strided.scatter [tilespmem:s28], [sflag:$0x3], $0x1400, s5, s26, $0x38;
	[tilespmem:$0x17840] =	vst v63  }
0xa9: {  	_ =	swait.ge [sflag:s25], $0x1400  }
0xaa: {  	[sflag:s25] =	ssyncset.done $0x0  }
0xab: {  	[sflag:s25] =	ssyncadd.s32 $0xFFFFEC00  }
0xac: {  	[tilespmem:s28], [sflag:$0x3] =	stream.linear.gather [spmem:s13], $0x1400, $0x38;
	[tilespmem:$0x17840] =	vst v63  }
0xad: {  	_ =	swait.ge [sflag:s25], $0x1400  }
0xae: {  	[sflag:s25] =	ssyncset.done $0x0  }
0xaf: {  	[sflag:s25] =	ssyncadd.s32 $0xFFFFEC00  }
0xb0: {  	[hbm4b:s21+s26] =	stream.strided.scatter [tilespmem:s28], [sflag:$0x3], $0x1400, s5, s26, $0x38;
	[tilespmem:$0x17840] =	vst v63  }
0xb1: {  	_ =	swait.ge [sflag:s25], $0x1400  }
0xb2: {  	[sflag:s25] =	ssyncset.done $0x0  }
0xb3: {  	[sflag:s25] =	ssyncadd.s32 $0xFFFFEC00  }
0xb4: {  	[tilespmem:s28], [sflag:$0x3] =	stream.linear.gather [spmem:s14], $0x1400, $0x38;
	[tilespmem:$0x17840] =	vst v63  }
0xb5: {  	_ =	swait.ge [sflag:s25], $0x1400  }
0xb6: {  	[sflag:s25] =	ssyncset.done $0x0  }
0xb7: {  	[sflag:s25] =	ssyncadd.s32 $0xFFFFEC00  }
0xb8: {  	[hbm4b:s22+s26] =	stream.strided.scatter [tilespmem:s28], [sflag:$0x3], $0x1400, s5, s26, $0x38;
	[tilespmem:$0x17840] =	vst v63  }
0xb9: {  	_ =	swait.ge [sflag:s25], $0x1400  }
0xba: {  	[sflag:s25] =	ssyncset.done $0x0  }
0xbb: {  	[sflag:s25] =	ssyncadd.s32 $0xFFFFEC00  }
0xbc: {  	[tilespmem:s28], [sflag:$0x3] =	stream.linear.gather [spmem:s15], $0x1400, $0x38;
	[tilespmem:$0x17840] =	vst v63  }
0xbd: {  	s6 =	sadd.s32 $0x1, s6;
	_ =	swait.ge [sflag:s25], $0x1400  }
0xbe: {  	p0 =	sne.s32 s6, s24;
	[sflag:s25] =	ssyncset.done $0x0  }
.Ltmp1:
0xbf: {  	[sflag:s25] =	ssyncadd.s32 $0xFFFFEC00;
	(pc) =	sbr.rel @p0 .LBB2_1-.Ltmp1, $4  }
0xc0: {  	[hbm4b:s23+s26] =	stream.strided.scatter [tilespmem:s28], [sflag:$0x3], $0x1400, s5, s26, $0x38;
	[tilespmem:$0x17840] =	vst v63  }
0xc1: {  	_ =	swait.ge [sflag:s25], $0x1400  }
0xc2: {  	[sflag:s25] =	ssyncset.done $0x0  }
0xc3: {  	[sflag:s25] =	ssyncadd.s32 $0xFFFFEC00  }
0xc4: {  	_ =	sfence.sel $0x180000  }
0xc5: {  	[bflag:$0x0] =	sbarrier.arrive $0xFFFF  }
0xc6: {  	_ =	strace $0x90000047  }
0xc7: {  	s0 =	stileid.u32;
	[bflag:$0x2] =	sbarrier.arrive $0xFFFF  }
0xc8: {  	p0 =	sne.s32 s0, $0x0;
	s0 =	rddreg [dreg:$0x3]  }
0xc9: {  	s0 =	sadd.s32 @!p0 $0x100000, s0  }
0xca: {  	[sflag:s0] =	ssyncadd.tile.s32 @!p0 $0x1;
	_ =	shalt  }
.Lfunc_end2:
_tile_overlayer_lowered:
.L_overlay_start_2:
0xcb: {  	(tag) =	ssettag $0x2  }
0xcc: {  	s0 =	rddreg [dreg:$0x0];
	s2 =	stileid.u32  }
0xcd: {  	s1 =	rddreg [dreg:$0x1];
	p0 =	sne.s32 s2, $0x0  }
0xce: {  	s3 =	rddreg [dreg:$0x2];
	[bflag:$0x3] =	sbarrier.arrive $0xFFFF;
	s2 =	simm.s32 @!p0 $0x1C03  }
0xcf: {  	[timem:s3], [sflag:s2] =	dma.local @!p0 [hbm:s0], s1  }
0xd0: {  	s0 =	simm.s32 @!p0 $0x3  }
0xd1: {  	_ =	swait.ge @!p0 [sflag:s0], s1  }
0xd2: {  	s1 =	ssub.s32 @!p0 $0x0, s1;
	[sflag:s0] =	ssyncset.done @!p0 $0x0  }
0xd3: {  	[sflag:s0] =	ssyncadd.s32 @!p0 s1  }
0xd4: {  	[bflag:$0x3] =	sbarrier.arrive $0xFFFF  }
0xd5: {  	_ =	shalt  }

</sc_bundles>
